<compile_context>
chip_gen: v7x
topology: tpu7x:2x2x1
jax: 0.10.2.dev20260603
libtpu: 0.0.44.dev20260713+nightly
codegen_flags: <defaults>
</compile_context>

<pallas_src>
import functools

import jax
import jax.numpy as jnp
from jax import lax
from jax.experimental import pallas as pl
from jax.experimental.pallas import tpu as pltpu
from jax.experimental.pallas import tpu_sc as plsc

_NC = 2
_NS = 16
_NW = _NC * _NS
_LANES = 16


@functools.lru_cache(maxsize=None)
def _build_plane_gather(L: int, B: int, V: int, D: int):
    d_per_w = D // _NW
    tr_n = D // 8
    mesh = plsc.VectorSubcoreMesh(core_axis_name="c", subcore_axis_name="s")

    @functools.partial(
        pl.kernel,
        out_type=jax.ShapeDtypeStruct((L, tr_n, 8, B), jnp.float32),
        mesh=mesh,
        scratch_types=[
            pltpu.VMEM_SHARED((L * B,), jnp.int32),
            pltpu.VMEM((V,), jnp.float32),
            [pltpu.VMEM((B,), jnp.int32) for _ in range(2)],
            [pltpu.VMEM((B,), jnp.float32) for _ in range(2)],
            [pltpu.SemaphoreType.DMA for _ in range(2)],
            [pltpu.SemaphoreType.DMA for _ in range(2)],
        ],
        compiler_params=pltpu.CompilerParams(
            use_tc_tiling_on_sc=True, needs_layout_passes=False
        ),
    )
    def plane_kernel(tableT_hbm, idx_hbm, out_hbm, idx_sh, trow_v, idx_v,
                     plane, isem, wsem):
        sid = lax.axis_index("s")
        wid = sid * _NC + lax.axis_index("c")

        @pl.when(sid == 0)
        def _():
            pltpu.sync_copy(idx_hbm, idx_sh)

        plsc.subcore_barrier()

        pltpu.async_copy(idx_sh.at[pl.ds(0, B)], idx_v[0], isem[0])

        for dd in range(d_per_w):
            d = wid * d_per_w + dd
            pltpu.sync_copy(tableT_hbm.at[d], trow_v)

            def pair(g, carry, d=d, dd=dd):
                for p in range(2):
                    l = g * 2 + p
                    pltpu.make_async_copy(
                        idx_sh.at[pl.ds(0, B)], idx_v[p], isem[p]
                    ).wait()
                    l_next = lax.rem(l + 1, L)
                    pltpu.async_copy(
                        idx_sh.at[pl.ds(l_next * B, B)], idx_v[1 - p],
                        isem[1 - p],
                    )

                    def drain(p=p):
                        pltpu.make_async_copy(
                            plane[p], out_hbm.at[0, 0, 0], wsem[p]
                        ).wait()

                    if dd == 0:
                        pl.when(g > 0)(drain)
                    else:
                        drain()

                    @plsc.parallel_loop(0, B, _LANES, unroll=16)
                    def _(i, p=p):
                        iv = idx_v[p][pl.ds(i, _LANES)]
                        plane[p][pl.ds(i, _LANES)] = plsc.load_gather(
                            trow_v, [iv]
                        )

                    pltpu.async_copy(
                        plane[p], out_hbm.at[l, d // 8, lax.rem(d, 8)],
                        wsem[p],
                    )
                return carry

            lax.fori_loop(0, L // 2, pair, 0)

        pltpu.make_async_copy(idx_sh.at[pl.ds(0, B)], idx_v[0], isem[0]).wait()
        for p in range(2):
            pltpu.make_async_copy(
                plane[p], out_hbm.at[0, 0, 0], wsem[p]
            ).wait()

    return plane_kernel


def kernel(sentences, lengths, bert_sent, bert_sent_type, bert_sent_mask, embed_table):
    B, L = sentences.shape
    V, D = embed_table.shape
    out = _build_plane_gather(L, B, V, D)(
        embed_table.T, sentences.T.astype(jnp.int32).reshape(-1)
    )
    return out.transpose(3, 0, 1, 2).reshape(B, L, D)

# --- scband reference (transcript-rebuilt; emitter-appended) ---
"""Pipeline reference for scband-language-embedding-layer-26018911879332 (READ-ONLY COPY).

The authoritative reference and input builder live on the scoring server;
editing this copy changes nothing except your own understanding.
"""

import jax, jax.numpy as jnp
import numpy as np

B = 4096
L = 50
V = 100000
D = 64

def setup_inputs(seed: int = 0) -> dict:
    key = jax.random.key(seed)
    k1, k2, k3, k4 = jax.random.split(key, 4)
    sentences = jax.random.randint(k1, (B, L), 0, V, dtype=jnp.int64 if jax.config.jax_enable_x64 else jnp.int32)
    lengths = jax.random.randint(k2, (B,), 1, L + 1, dtype=jnp.int64 if jax.config.jax_enable_x64 else jnp.int32)
    bert_sent = jax.random.randint(k3, (B, L), 0, 30522, dtype=jnp.int64 if jax.config.jax_enable_x64 else jnp.int32)
    bert_sent_type = jnp.zeros((B, L), dtype=jnp.int32)
    bert_sent_mask = jnp.ones((B, L), dtype=jnp.float32)
    # Learned parameter: embedding table of nn.Embedding(len(word2id), orig_d_l)
    embed_table = jax.random.normal(k4, (V, D), dtype=jnp.float32)
    return {
        "sentences": sentences,
        "lengths": lengths,
        "bert_sent": bert_sent,
        "bert_sent_type": bert_sent_type,
        "bert_sent_mask": bert_sent_mask,
        "embed_table": embed_table,
    }

def reference(sentences, lengths, bert_sent, bert_sent_type, bert_sent_mask, embed_table):
    # use_bert=False branch: output = self.embed(sentences)
    output = jnp.take(embed_table, sentences, axis=0)
    return output

if __name__ == "__main__":
    import jax
    _d = setup_inputs()
    print(jax.jit(kernel)(*tuple(_d.values())))

</pallas_src>

<mosaic_0001>
#map = affine_map<(d0, d1) -> (0, 0)>
#map1 = affine_map<(d0, d1) -> (0)>
#map2 = affine_map<(d0, d1) -> (0, 0, 0, 0)>
module attributes {stable_mosaic.version = 14 : i64} {
  func.func @plane_kernel(%arg0: i32, %arg1: i32, %arg2: memref<64x100000xf32, #tpu.memory_space<hbm>>, %arg3: memref<204800xi32, #tpu.memory_space<hbm>>, %arg4: memref<50x8x8x4096xf32, #tpu.memory_space<hbm>>, %arg5: memref<204800xi32, #tpu.memory_space<vmem_shared>>, %arg6: memref<100000xf32, #tpu.memory_space<vmem>>, %arg7: memref<4096xi32, #tpu.memory_space<vmem>>, %arg8: memref<4096xi32, #tpu.memory_space<vmem>>, %arg9: memref<4096xf32, #tpu.memory_space<vmem>>, %arg10: memref<4096xf32, #tpu.memory_space<vmem>>, %arg11: memref<!tpu.dma_semaphore, #tpu.memory_space<semaphore_mem>>, %arg12: memref<!tpu.dma_semaphore, #tpu.memory_space<semaphore_mem>>, %arg13: memref<!tpu.dma_semaphore, #tpu.memory_space<semaphore_mem>>, %arg14: memref<!tpu.dma_semaphore, #tpu.memory_space<semaphore_mem>>) attributes {dimension_semantics = [#tpu.dimension_semantics<core_parallel>, #tpu.dimension_semantics<subcore_parallel>], iteration_bounds = array<i64: 2, 16>, scalar_prefetch = 0 : i64, scratch_operands = 10 : i64, tpu.core_type = #tpu.core_type<sc_vector_subcore>, window_params = [{transform_indices = #map}, {transform_indices = #map1}, {transform_indices = #map2}]} {
    %mul3A = arith.constant 2 : i32
    %mul3A_0 = arith.muli %arg1, %mul3A : i32
    %add3A = arith.addi %mul3A_0, %arg0 : i32
    %eq3A = arith.constant 0 : i32
    %eq3A_1 = arith.cmpi eq, %arg1, %eq3A : i32
    %convert_element_type3A = arith.extui %eq3A_1 : i1 to i32
    %cond3A = arith.constant 0 : i32
    %cond3A_2 = arith.cmpi ne, %convert_element_type3A, %cond3A : i32
    scf.if %cond3A_2 {
      "tpu.region"() ({
        %run_scoped3A = tpu.sem_alloc : memref<!tpu.dma_semaphore, #tpu.memory_space<semaphore_mem>>
        tpu.enqueue_dma source(%arg3 : memref<204800xi32, #tpu.memory_space<hbm>>) target(%arg5 : memref<204800xi32, #tpu.memory_space<vmem_shared>>) target_semaphore(%run_scoped3A : memref<!tpu.dma_semaphore, #tpu.memory_space<semaphore_mem>>)
        tpu.wait_dma2 semaphore(%run_scoped3A : memref<!tpu.dma_semaphore, #tpu.memory_space<semaphore_mem>>) src(%arg3 : memref<204800xi32, #tpu.memory_space<hbm>>) dst(%arg5 : memref<204800xi32, #tpu.memory_space<vmem_shared>>)
        tpu.yield
      }) : () -> ()
    } else {
    }
    %barrier3A = arith.constant 0 : index
    tpu.barrier barrier_id(%barrier3A)
    %dma_start3A = arith.constant 0 : i32
    %dma_start3A_3 = tpu.memref_slice %arg5[%dma_start3A] : memref<204800xi32, #tpu.memory_space<vmem_shared>> -> memref<4096xi32, #tpu.memory_space<vmem_shared>>
    %dma_start3A_4 = arith.constant 0 : i32
    %dma_start3A_5 = tpu.memref_slice %arg5[%dma_start3A_4] : memref<204800xi32, #tpu.memory_space<vmem_shared>> -> memref<4096xi32, #tpu.memory_space<vmem_shared>>
    tpu.enqueue_dma source(%dma_start3A_5 : memref<4096xi32, #tpu.memory_space<vmem_shared>>) target(%arg7 : memref<4096xi32, #tpu.memory_space<vmem>>) target_semaphore(%arg11 : memref<!tpu.dma_semaphore, #tpu.memory_space<semaphore_mem>>)
    %mul3A_6 = arith.constant 2 : i32
    %mul3A_7 = arith.muli %add3A, %mul3A_6 : i32
    %add3A_8 = arith.constant 0 : i32
    %add3A_9 = arith.addi %mul3A_7, %add3A_8 : i32
    "tpu.region"() ({
      %run_scoped3A = tpu.sem_alloc : memref<!tpu.dma_semaphore, #tpu.memory_space<semaphore_mem>>
      %dma_start3A_46 = arith.constant 0 : i32
      %dma_start3A_47 = tpu.memref_slice %arg2[%add3A_9, %dma_start3A_46] : memref<64x100000xf32, #tpu.memory_space<hbm>> -> memref<1x100000xf32, #tpu.memory_space<hbm>>
      %dma_start3A_48 = tpu.memref_squeeze %dma_start3A_47 : memref<1x100000xf32, #tpu.memory_space<hbm>> -> memref<100000xf32, #tpu.memory_space<hbm>>
      %dma_start3A_49 = arith.constant 0 : i32
      %dma_start3A_50 = tpu.memref_slice %arg2[%add3A_9, %dma_start3A_49] : memref<64x100000xf32, #tpu.memory_space<hbm>> -> memref<1x100000xf32, #tpu.memory_space<hbm>>
      %dma_start3A_51 = tpu.memref_squeeze %dma_start3A_50 : memref<1x100000xf32, #tpu.memory_space<hbm>> -> memref<100000xf32, #tpu.memory_space<hbm>>
      tpu.enqueue_dma source(%dma_start3A_51 : memref<100000xf32, #tpu.memory_space<hbm>>) target(%arg6 : memref<100000xf32, #tpu.memory_space<vmem>>) target_semaphore(%run_scoped3A : memref<!tpu.dma_semaphore, #tpu.memory_space<semaphore_mem>>)
      %dma_wait3A_52 = arith.constant 0 : i32
      %dma_wait3A_53 = tpu.memref_slice %arg2[%add3A_9, %dma_wait3A_52] : memref<64x100000xf32, #tpu.memory_space<hbm>> -> memref<1x100000xf32, #tpu.memory_space<hbm>>
      %dma_wait3A_54 = tpu.memref_squeeze %dma_wait3A_53 : memref<1x100000xf32, #tpu.memory_space<hbm>> -> memref<100000xf32, #tpu.memory_space<hbm>>
      %dma_wait3A_55 = arith.constant 0 : i32
      %dma_wait3A_56 = tpu.memref_slice %arg2[%add3A_9, %dma_wait3A_55] : memref<64x100000xf32, #tpu.memory_space<hbm>> -> memref<1x100000xf32, #tpu.memory_space<hbm>>
      %dma_wait3A_57 = tpu.memref_squeeze %dma_wait3A_56 : memref<1x100000xf32, #tpu.memory_space<hbm>> -> memref<100000xf32, #tpu.memory_space<hbm>>
      tpu.wait_dma2 semaphore(%run_scoped3A : memref<!tpu.dma_semaphore, #tpu.memory_space<semaphore_mem>>) src(%dma_wait3A_57 : memref<100000xf32, #tpu.memory_space<hbm>>) dst(%arg6 : memref<100000xf32, #tpu.memory_space<vmem>>)
      tpu.yield
    }) : () -> ()
    %scan3A = arith.constant 0 : i32
    %scan3A_10 = arith.constant 0 : i32
    %scan3A_11 = arith.constant 25 : i32
    %scan3A_12 = arith.addi %scan3A_10, %scan3A_11 : i32
    %scan3A_13 = arith.constant 1 : i32
    scf.for %scan3A_46 = %scan3A_10 to %scan3A_12 step %scan3A_13  : i32 {
      %mul3A_47 = arith.constant 2 : i32
      %mul3A_48 = arith.muli %scan3A_46, %mul3A_47 : i32
      %add3A_49 = arith.constant 0 : i32
      %add3A_50 = arith.addi %mul3A_48, %add3A_49 : i32
      %dma_wait3A_51 = arith.constant 0 : i32
      %dma_wait3A_52 = tpu.memref_slice %arg5[%dma_wait3A_51] : memref<204800xi32, #tpu.memory_space<vmem_shared>> -> memref<4096xi32, #tpu.memory_space<vmem_shared>>
      %dma_wait3A_53 = arith.constant 0 : i32
      %dma_wait3A_54 = tpu.memref_slice %arg5[%dma_wait3A_53] : memref<204800xi32, #tpu.memory_space<vmem_shared>> -> memref<4096xi32, #tpu.memory_space<vmem_shared>>
      tpu.wait_dma2 semaphore(%arg11 : memref<!tpu.dma_semaphore, #tpu.memory_space<semaphore_mem>>) src(%dma_wait3A_54 : memref<4096xi32, #tpu.memory_space<vmem_shared>>) dst(%arg7 : memref<4096xi32, #tpu.memory_space<vmem>>)
      %add3A_55 = arith.constant 1 : i32
      %add3A_56 = arith.addi %add3A_50, %add3A_55 : i32
      %rem3A = arith.constant 50 : i32
      %rem3A_57 = arith.remsi %add3A_56, %rem3A : i32
      %mul3A_58 = arith.constant 4096 : i32
      %mul3A_59 = arith.muli %rem3A_57, %mul3A_58 : i32
      %dma_start3A_60 = tpu.memref_slice %arg5[%mul3A_59] : memref<204800xi32, #tpu.memory_space<vmem_shared>> -> memref<4096xi32, #tpu.memory_space<vmem_shared>>
      %dma_start3A_61 = tpu.memref_slice %arg5[%mul3A_59] : memref<204800xi32, #tpu.memory_space<vmem_shared>> -> memref<4096xi32, #tpu.memory_space<vmem_shared>>
      tpu.enqueue_dma source(%dma_start3A_61 : memref<4096xi32, #tpu.memory_space<vmem_shared>>) target(%arg8 : memref<4096xi32, #tpu.memory_space<vmem>>) target_semaphore(%arg12 : memref<!tpu.dma_semaphore, #tpu.memory_space<semaphore_mem>>)
      %gt3A = arith.constant 0 : i32
      %gt3A_62 = arith.cmpi sgt, %scan3A_46, %gt3A : i32
      %convert_element_type3A_63 = arith.extui %gt3A_62 : i1 to i32
      %cond3A_64 = arith.constant 0 : i32
      %cond3A_65 = arith.cmpi ne, %convert_element_type3A_63, %cond3A_64 : i32
      scf.if %cond3A_65 {
        %dma_wait3A_149 = arith.constant 0 : i32
        %dma_wait3A_150 = arith.constant 0 : i32
        %dma_wait3A_151 = arith.constant 0 : i32
        %dma_wait3A_152 = arith.constant 0 : i32
        %dma_wait3A_153 = tpu.memref_slice %arg4[%dma_wait3A_149, %dma_wait3A_150, %dma_wait3A_151, %dma_wait3A_152] : memref<50x8x8x4096xf32, #tpu.memory_space<hbm>> -> memref<1x1x1x4096xf32, #tpu.memory_space<hbm>>
        %dma_wait3A_154 = tpu.memref_squeeze %dma_wait3A_153 : memref<1x1x1x4096xf32, #tpu.memory_space<hbm>> -> memref<4096xf32, #tpu.memory_space<hbm>>
        %dma_wait3A_155 = arith.constant 0 : i32
        %dma_wait3A_156 = tpu.memref_slice %arg4[%dma_wait3A_149, %dma_wait3A_150, %dma_wait3A_151, %dma_wait3A_155] : memref<50x8x8x4096xf32, #tpu.memory_space<hbm>> -> memref<1x1x1x4096xf32, #tpu.memory_space<hbm>>
        %dma_wait3A_157 = tpu.memref_squeeze %dma_wait3A_156 : memref<1x1x1x4096xf32, #tpu.memory_space<hbm>> -> memref<4096xf32, #tpu.memory_space<hbm>>
        tpu.wait_dma2 semaphore(%arg13 : memref<!tpu.dma_semaphore, #tpu.memory_space<semaphore_mem>>) src(%arg9 : memref<4096xf32, #tpu.memory_space<vmem>>) dst(%dma_wait3A_157 : memref<4096xf32, #tpu.memory_space<hbm>>)
      } else {
      }
      %parallel_loop3A = arith.constant 0 : i32
      %parallel_loop3A_66 = arith.constant 4096 : i32
      %parallel_loop3A_67 = arith.constant 16 : i32
      scf.for %parallel_loop3A_149 = %parallel_loop3A to %parallel_loop3A_66 step %parallel_loop3A_67  : i32 {
        %parallel_loop3A_150 = arith.index_cast %parallel_loop3A_149 : i32 to index
        %parallel_loop3A_151 = tpu.vector_load %arg7[%parallel_loop3A_150] {strides = array<i32>} : memref<4096xi32, #tpu.memory_space<vmem>>, vector<16xi32>,
        %parallel_loop3A_152 = tpu.vector_load_idx %arg6[%parallel_loop3A_151] : memref<100000xf32, #tpu.memory_space<vmem>>[vector<16xi32>], vector<16xf32>,
        %parallel_loop3A_153 = arith.index_cast %parallel_loop3A_149 : i32 to index
        %parallel_loop3A_154 = tpu.vector_load %arg9[%parallel_loop3A_153] {strides = array<i32>} : memref<4096xf32, #tpu.memory_space<vmem>>, vector<16xf32>,
        tpu.vector_store %arg9[%parallel_loop3A_153], %parallel_loop3A_152 {strides = array<i32>} : memref<4096xf32, #tpu.memory_space<vmem>>, vector<16xf32>,
      } {sc.loop_unroll_factor = 16 : i64, sc.parallel_access}
      %jit3A = arith.constant 8 : i32
      %div3A = arith.divsi %add3A_9, %jit3A : i32
      %sign3A = arith.constant 0 : i32
      %sign3A_68 = arith.cmpi sgt, %add3A_9, %sign3A : i32
      %sign3A_69 = arith.extui %sign3A_68 : i1 to i32
      %sign3A_70 = arith.constant 0 : i32
      %sign3A_71 = arith.cmpi slt, %add3A_9, %sign3A_70 : i32
      %sign3A_72 = arith.extui %sign3A_71 : i1 to i32
      %sign3A_73 = arith.subi %sign3A_69, %sign3A_72 : i32
      %sign3A_74 = arith.constant 0 : i32
      %sign3A_75 = arith.cmpi sgt, %jit3A, %sign3A_74 : i32
      %sign3A_76 = arith.extui %sign3A_75 : i1 to i32
      %sign3A_77 = arith.constant 0 : i32
      %sign3A_78 = arith.cmpi slt, %jit3A, %sign3A_77 : i32
      %sign3A_79 = arith.extui %sign3A_78 : i1 to i32
      %sign3A_80 = arith.subi %sign3A_76, %sign3A_79 : i32
      %ne3A = arith.cmpi ne, %sign3A_73, %sign3A_80 : i32
      %rem3A_81 = arith.remsi %add3A_9, %jit3A : i32
      %ne3A_82 = arith.constant 0 : i32
      %ne3A_83 = arith.cmpi ne, %rem3A_81, %ne3A_82 : i32
      %and3A = arith.andi %ne3A, %ne3A_83 : i1
      %sub3A = arith.constant 1 : i32
      %sub3A_84 = arith.subi %div3A, %sub3A : i32
      %select_n3A = arith.select %and3A, %sub3A_84, %div3A : i32
      %rem3A_85 = arith.constant 8 : i32
      %rem3A_86 = arith.remsi %add3A_9, %rem3A_85 : i32
      %dma_start3A_87 = arith.constant 0 : i32
      %dma_start3A_88 = tpu.memref_slice %arg4[%add3A_50, %select_n3A, %rem3A_86, %dma_start3A_87] : memref<50x8x8x4096xf32, #tpu.memory_space<hbm>> -> memref<1x1x1x4096xf32, #tpu.memory_space<hbm>>
      %dma_start3A_89 = tpu.memref_squeeze %dma_start3A_88 : memref<1x1x1x4096xf32, #tpu.memory_space<hbm>> -> memref<4096xf32, #tpu.memory_space<hbm>>
      %dma_start3A_90 = arith.constant 0 : i32
      %dma_start3A_91 = tpu.memref_slice %arg4[%add3A_50, %select_n3A, %rem3A_86, %dma_start3A_90] : memref<50x8x8x4096xf32, #tpu.memory_space<hbm>> -> memref<1x1x1x4096xf32, #tpu.memory_space<hbm>>
      %dma_start3A_92 = tpu.memref_squeeze %dma_start3A_91 : memref<1x1x1x4096xf32, #tpu.memory_space<hbm>> -> memref<4096xf32, #tpu.memory_space<hbm>>
      tpu.enqueue_dma source(%arg9 : memref<4096xf32, #tpu.memory_space<vmem>>) target(%dma_start3A_92 : memref<4096xf32, #tpu.memory_space<hbm>>) target_semaphore(%arg13 : memref<!tpu.dma_semaphore, #tpu.memory_space<semaphore_mem>>)
      %mul3A_93 = arith.constant 2 : i32
      %mul3A_94 = arith.muli %scan3A_46, %mul3A_93 : i32
      %add3A_95 = arith.constant 1 : i32
      %add3A_96 = arith.addi %mul3A_94, %add3A_95 : i32
      %dma_wait3A_97 = arith.constant 0 : i32
      %dma_wait3A_98 = tpu.memref_slice %arg5[%dma_wait3A_97] : memref<204800xi32, #tpu.memory_space<vmem_shared>> -> memref<4096xi32, #tpu.memory_space<vmem_shared>>
      %dma_wait3A_99 = arith.constant 0 : i32
      %dma_wait3A_100 = tpu.memref_slice %arg5[%dma_wait3A_99] : memref<204800xi32, #tpu.memory_space<vmem_shared>> -> memref<4096xi32, #tpu.memory_space<vmem_shared>>
      tpu.wait_dma2 semaphore(%arg12 : memref<!tpu.dma_semaphore, #tpu.memory_space<semaphore_mem>>) src(%dma_wait3A_100 : memref<4096xi32, #tpu.memory_space<vmem_shared>>) dst(%arg8 : memref<4096xi32, #tpu.memory_space<vmem>>)
      %add3A_101 = arith.constant 1 : i32
      %add3A_102 = arith.addi %add3A_96, %add3A_101 : i32
      %rem3A_103 = arith.constant 50 : i32
      %rem3A_104 = arith.remsi %add3A_102, %rem3A_103 : i32
      %mul3A_105 = arith.constant 4096 : i32
      %mul3A_106 = arith.muli %rem3A_104, %mul3A_105 : i32
      %dma_start3A_107 = tpu.memref_slice %arg5[%mul3A_106] : memref<204800xi32, #tpu.memory_space<vmem_shared>> -> memref<4096xi32, #tpu.memory_space<vmem_shared>>
      %dma_start3A_108 = tpu.memref_slice %arg5[%mul3A_106] : memref<204800xi32, #tpu.memory_space<vmem_shared>> -> memref<4096xi32, #tpu.memory_space<vmem_shared>>
      tpu.enqueue_dma source(%dma_start3A_108 : memref<4096xi32, #tpu.memory_space<vmem_shared>>) target(%arg7 : memref<4096xi32, #tpu.memory_space<vmem>>) target_semaphore(%arg11 : memref<!tpu.dma_semaphore, #tpu.memory_space<semaphore_mem>>)
      %gt3A_109 = arith.constant 0 : i32
      %gt3A_110 = arith.cmpi sgt, %scan3A_46, %gt3A_109 : i32
      %convert_element_type3A_111 = arith.extui %gt3A_110 : i1 to i32
      %cond3A_112 = arith.constant 0 : i32
      %cond3A_113 = arith.cmpi ne, %convert_element_type3A_111, %cond3A_112 : i32
      scf.if %cond3A_113 {
        %dma_wait3A_149 = arith.constant 0 : i32
        %dma_wait3A_150 = arith.constant 0 : i32
        %dma_wait3A_151 = arith.constant 0 : i32
        %dma_wait3A_152 = arith.constant 0 : i32
        %dma_wait3A_153 = tpu.memref_slice %arg4[%dma_wait3A_149, %dma_wait3A_150, %dma_wait3A_151, %dma_wait3A_152] : memref<50x8x8x4096xf32, #tpu.memory_space<hbm>> -> memref<1x1x1x4096xf32, #tpu.memory_space<hbm>>
        %dma_wait3A_154 = tpu.memref_squeeze %dma_wait3A_153 : memref<1x1x1x4096xf32, #tpu.memory_space<hbm>> -> memref<4096xf32, #tpu.memory_space<hbm>>
        %dma_wait3A_155 = arith.constant 0 : i32
        %dma_wait3A_156 = tpu.memref_slice %arg4[%dma_wait3A_149, %dma_wait3A_150, %dma_wait3A_151, %dma_wait3A_155] : memref<50x8x8x4096xf32, #tpu.memory_space<hbm>> -> memref<1x1x1x4096xf32, #tpu.memory_space<hbm>>
        %dma_wait3A_157 = tpu.memref_squeeze %dma_wait3A_156 : memref<1x1x1x4096xf32, #tpu.memory_space<hbm>> -> memref<4096xf32, #tpu.memory_space<hbm>>
        tpu.wait_dma2 semaphore(%arg14 : memref<!tpu.dma_semaphore, #tpu.memory_space<semaphore_mem>>) src(%arg10 : memref<4096xf32, #tpu.memory_space<vmem>>) dst(%dma_wait3A_157 : memref<4096xf32, #tpu.memory_space<hbm>>)
      } else {
      }
      %parallel_loop3A_114 = arith.constant 0 : i32
      %parallel_loop3A_115 = arith.constant 4096 : i32
      %parallel_loop3A_116 = arith.constant 16 : i32
      scf.for %parallel_loop3A_149 = %parallel_loop3A_114 to %parallel_loop3A_115 step %parallel_loop3A_116  : i32 {
        %parallel_loop3A_150 = arith.index_cast %parallel_loop3A_149 : i32 to index
        %parallel_loop3A_151 = tpu.vector_load %arg8[%parallel_loop3A_150] {strides = array<i32>} : memref<4096xi32, #tpu.memory_space<vmem>>, vector<16xi32>,
        %parallel_loop3A_152 = tpu.vector_load_idx %arg6[%parallel_loop3A_151] : memref<100000xf32, #tpu.memory_space<vmem>>[vector<16xi32>], vector<16xf32>,
        %parallel_loop3A_153 = arith.index_cast %parallel_loop3A_149 : i32 to index
        %parallel_loop3A_154 = tpu.vector_load %arg10[%parallel_loop3A_153] {strides = array<i32>} : memref<4096xf32, #tpu.memory_space<vmem>>, vector<16xf32>,
        tpu.vector_store %arg10[%parallel_loop3A_153], %parallel_loop3A_152 {strides = array<i32>} : memref<4096xf32, #tpu.memory_space<vmem>>, vector<16xf32>,
      } {sc.loop_unroll_factor = 16 : i64, sc.parallel_access}
      %jit3A_117 = arith.constant 8 : i32
      %div3A_118 = arith.divsi %add3A_9, %jit3A_117 : i32
      %sign3A_119 = arith.constant 0 : i32
      %sign3A_120 = arith.cmpi sgt, %add3A_9, %sign3A_119 : i32
      %sign3A_121 = arith.extui %sign3A_120 : i1 to i32
      %sign3A_122 = arith.constant 0 : i32
      %sign3A_123 = arith.cmpi slt, %add3A_9, %sign3A_122 : i32
      %sign3A_124 = arith.extui %sign3A_123 : i1 to i32
      %sign3A_125 = arith.subi %sign3A_121, %sign3A_124 : i32
      %sign3A_126 = arith.constant 0 : i32
      %sign3A_127 = arith.cmpi sgt, %jit3A_117, %sign3A_126 : i32
      %sign3A_128 = arith.extui %sign3A_127 : i1 to i32
      %sign3A_129 = arith.constant 0 : i32
      %sign3A_130 = arith.cmpi slt, %jit3A_117, %sign3A_129 : i32
      %sign3A_131 = arith.extui %sign3A_130 : i1 to i32
      %sign3A_132 = arith.subi %sign3A_128, %sign3A_131 : i32
      %ne3A_133 = arith.cmpi ne, %sign3A_125, %sign3A_132 : i32
      %rem3A_134 = arith.remsi %add3A_9, %jit3A_117 : i32
      %ne3A_135 = arith.constant 0 : i32
      %ne3A_136 = arith.cmpi ne, %rem3A_134, %ne3A_135 : i32
      %and3A_137 = arith.andi %ne3A_133, %ne3A_136 : i1
      %sub3A_138 = arith.constant 1 : i32
      %sub3A_139 = arith.subi %div3A_118, %sub3A_138 : i32
      %select_n3A_140 = arith.select %and3A_137, %sub3A_139, %div3A_118 : i32
      %rem3A_141 = arith.constant 8 : i32
      %rem3A_142 = arith.remsi %add3A_9, %rem3A_141 : i32
      %dma_start3A_143 = arith.constant 0 : i32
      %dma_start3A_144 = tpu.memref_slice %arg4[%add3A_96, %select_n3A_140, %rem3A_142, %dma_start3A_143] : memref<50x8x8x4096xf32, #tpu.memory_space<hbm>> -> memref<1x1x1x4096xf32, #tpu.memory_space<hbm>>
      %dma_start3A_145 = tpu.memref_squeeze %dma_start3A_144 : memref<1x1x1x4096xf32, #tpu.memory_space<hbm>> -> memref<4096xf32, #tpu.memory_space<hbm>>
      %dma_start3A_146 = arith.constant 0 : i32
      %dma_start3A_147 = tpu.memref_slice %arg4[%add3A_96, %select_n3A_140, %rem3A_142, %dma_start3A_146] : memref<50x8x8x4096xf32, #tpu.memory_space<hbm>> -> memref<1x1x1x4096xf32, #tpu.memory_space<hbm>>
      %dma_start3A_148 = tpu.memref_squeeze %dma_start3A_147 : memref<1x1x1x4096xf32, #tpu.memory_space<hbm>> -> memref<4096xf32, #tpu.memory_space<hbm>>
      tpu.enqueue_dma source(%arg10 : memref<4096xf32, #tpu.memory_space<vmem>>) target(%dma_start3A_148 : memref<4096xf32, #tpu.memory_space<hbm>>) target_semaphore(%arg14 : memref<!tpu.dma_semaphore, #tpu.memory_space<semaphore_mem>>)
    }
    %scan3A_14 = arith.constant 25 : i32
    %mul3A_15 = arith.constant 2 : i32
    %mul3A_16 = arith.muli %add3A, %mul3A_15 : i32
    %add3A_17 = arith.constant 1 : i32
    %add3A_18 = arith.addi %mul3A_16, %add3A_17 : i32
    "tpu.region"() ({
      %run_scoped3A = tpu.sem_alloc : memref<!tpu.dma_semaphore, #tpu.memory_space<semaphore_mem>>
      %dma_start3A_46 = arith.constant 0 : i32
      %dma_start3A_47 = tpu.memref_slice %arg2[%add3A_18, %dma_start3A_46] : memref<64x100000xf32, #tpu.memory_space<hbm>> -> memref<1x100000xf32, #tpu.memory_space<hbm>>
      %dma_start3A_48 = tpu.memref_squeeze %dma_start3A_47 : memref<1x100000xf32, #tpu.memory_space<hbm>> -> memref<100000xf32, #tpu.memory_space<hbm>>
      %dma_start3A_49 = arith.constant 0 : i32
      %dma_start3A_50 = tpu.memref_slice %arg2[%add3A_18, %dma_start3A_49] : memref<64x100000xf32, #tpu.memory_space<hbm>> -> memref<1x100000xf32, #tpu.memory_space<hbm>>
      %dma_start3A_51 = tpu.memref_squeeze %dma_start3A_50 : memref<1x100000xf32, #tpu.memory_space<hbm>> -> memref<100000xf32, #tpu.memory_space<hbm>>
      tpu.enqueue_dma source(%dma_start3A_51 : memref<100000xf32, #tpu.memory_space<hbm>>) target(%arg6 : memref<100000xf32, #tpu.memory_space<vmem>>) target_semaphore(%run_scoped3A : memref<!tpu.dma_semaphore, #tpu.memory_space<semaphore_mem>>)
      %dma_wait3A_52 = arith.constant 0 : i32
      %dma_wait3A_53 = tpu.memref_slice %arg2[%add3A_18, %dma_wait3A_52] : memref<64x100000xf32, #tpu.memory_space<hbm>> -> memref<1x100000xf32, #tpu.memory_space<hbm>>
      %dma_wait3A_54 = tpu.memref_squeeze %dma_wait3A_53 : memref<1x100000xf32, #tpu.memory_space<hbm>> -> memref<100000xf32, #tpu.memory_space<hbm>>
      %dma_wait3A_55 = arith.constant 0 : i32
      %dma_wait3A_56 = tpu.memref_slice %arg2[%add3A_18, %dma_wait3A_55] : memref<64x100000xf32, #tpu.memory_space<hbm>> -> memref<1x100000xf32, #tpu.memory_space<hbm>>
      %dma_wait3A_57 = tpu.memref_squeeze %dma_wait3A_56 : memref<1x100000xf32, #tpu.memory_space<hbm>> -> memref<100000xf32, #tpu.memory_space<hbm>>
      tpu.wait_dma2 semaphore(%run_scoped3A : memref<!tpu.dma_semaphore, #tpu.memory_space<semaphore_mem>>) src(%dma_wait3A_57 : memref<100000xf32, #tpu.memory_space<hbm>>) dst(%arg6 : memref<100000xf32, #tpu.memory_space<vmem>>)
      tpu.yield
    }) : () -> ()
    %scan3A_19 = arith.constant 0 : i32
    %scan3A_20 = arith.constant 0 : i32
    %scan3A_21 = arith.constant 25 : i32
    %scan3A_22 = arith.addi %scan3A_20, %scan3A_21 : i32
    %scan3A_23 = arith.constant 1 : i32
    scf.for %scan3A_46 = %scan3A_20 to %scan3A_22 step %scan3A_23  : i32 {
      %mul3A_47 = arith.constant 2 : i32
      %mul3A_48 = arith.muli %scan3A_46, %mul3A_47 : i32
      %add3A_49 = arith.constant 0 : i32
      %add3A_50 = arith.addi %mul3A_48, %add3A_49 : i32
      %dma_wait3A_51 = arith.constant 0 : i32
      %dma_wait3A_52 = tpu.memref_slice %arg5[%dma_wait3A_51] : memref<204800xi32, #tpu.memory_space<vmem_shared>> -> memref<4096xi32, #tpu.memory_space<vmem_shared>>
      %dma_wait3A_53 = arith.constant 0 : i32
      %dma_wait3A_54 = tpu.memref_slice %arg5[%dma_wait3A_53] : memref<204800xi32, #tpu.memory_space<vmem_shared>> -> memref<4096xi32, #tpu.memory_space<vmem_shared>>
      tpu.wait_dma2 semaphore(%arg11 : memref<!tpu.dma_semaphore, #tpu.memory_space<semaphore_mem>>) src(%dma_wait3A_54 : memref<4096xi32, #tpu.memory_space<vmem_shared>>) dst(%arg7 : memref<4096xi32, #tpu.memory_space<vmem>>)
      %add3A_55 = arith.constant 1 : i32
      %add3A_56 = arith.addi %add3A_50, %add3A_55 : i32
      %rem3A = arith.constant 50 : i32
      %rem3A_57 = arith.remsi %add3A_56, %rem3A : i32
      %mul3A_58 = arith.constant 4096 : i32
      %mul3A_59 = arith.muli %rem3A_57, %mul3A_58 : i32
      %dma_start3A_60 = tpu.memref_slice %arg5[%mul3A_59] : memref<204800xi32, #tpu.memory_space<vmem_shared>> -> memref<4096xi32, #tpu.memory_space<vmem_shared>>
      %dma_start3A_61 = tpu.memref_slice %arg5[%mul3A_59] : memref<204800xi32, #tpu.memory_space<vmem_shared>> -> memref<4096xi32, #tpu.memory_space<vmem_shared>>
      tpu.enqueue_dma source(%dma_start3A_61 : memref<4096xi32, #tpu.memory_space<vmem_shared>>) target(%arg8 : memref<4096xi32, #tpu.memory_space<vmem>>) target_semaphore(%arg12 : memref<!tpu.dma_semaphore, #tpu.memory_space<semaphore_mem>>)
      %dma_wait3A_62 = arith.constant 0 : i32
      %dma_wait3A_63 = arith.constant 0 : i32
      %dma_wait3A_64 = arith.constant 0 : i32
      %dma_wait3A_65 = arith.constant 0 : i32
      %dma_wait3A_66 = tpu.memref_slice %arg4[%dma_wait3A_62, %dma_wait3A_63, %dma_wait3A_64, %dma_wait3A_65] : memref<50x8x8x4096xf32, #tpu.memory_space<hbm>> -> memref<1x1x1x4096xf32, #tpu.memory_space<hbm>>
      %dma_wait3A_67 = tpu.memref_squeeze %dma_wait3A_66 : memref<1x1x1x4096xf32, #tpu.memory_space<hbm>> -> memref<4096xf32, #tpu.memory_space<hbm>>
      %dma_wait3A_68 = arith.constant 0 : i32
      %dma_wait3A_69 = tpu.memref_slice %arg4[%dma_wait3A_62, %dma_wait3A_63, %dma_wait3A_64, %dma_wait3A_68] : memref<50x8x8x4096xf32, #tpu.memory_space<hbm>> -> memref<1x1x1x4096xf32, #tpu.memory_space<hbm>>
      %dma_wait3A_70 = tpu.memref_squeeze %dma_wait3A_69 : memref<1x1x1x4096xf32, #tpu.memory_space<hbm>> -> memref<4096xf32, #tpu.memory_space<hbm>>
      tpu.wait_dma2 semaphore(%arg13 : memref<!tpu.dma_semaphore, #tpu.memory_space<semaphore_mem>>) src(%arg9 : memref<4096xf32, #tpu.memory_space<vmem>>) dst(%dma_wait3A_70 : memref<4096xf32, #tpu.memory_space<hbm>>)
      %parallel_loop3A = arith.constant 0 : i32
      %parallel_loop3A_71 = arith.constant 4096 : i32
      %parallel_loop3A_72 = arith.constant 16 : i32
      scf.for %parallel_loop3A_158 = %parallel_loop3A to %parallel_loop3A_71 step %parallel_loop3A_72  : i32 {
        %parallel_loop3A_159 = arith.index_cast %parallel_loop3A_158 : i32 to index
        %parallel_loop3A_160 = tpu.vector_load %arg7[%parallel_loop3A_159] {strides = array<i32>} : memref<4096xi32, #tpu.memory_space<vmem>>, vector<16xi32>,
        %parallel_loop3A_161 = tpu.vector_load_idx %arg6[%parallel_loop3A_160] : memref<100000xf32, #tpu.memory_space<vmem>>[vector<16xi32>], vector<16xf32>,
        %parallel_loop3A_162 = arith.index_cast %parallel_loop3A_158 : i32 to index
        %parallel_loop3A_163 = tpu.vector_load %arg9[%parallel_loop3A_162] {strides = array<i32>} : memref<4096xf32, #tpu.memory_space<vmem>>, vector<16xf32>,
        tpu.vector_store %arg9[%parallel_loop3A_162], %parallel_loop3A_161 {strides = array<i32>} : memref<4096xf32, #tpu.memory_space<vmem>>, vector<16xf32>,
      } {sc.loop_unroll_factor = 16 : i64, sc.parallel_access}
      %jit3A = arith.constant 8 : i32
      %div3A = arith.divsi %add3A_18, %jit3A : i32
      %sign3A = arith.constant 0 : i32
      %sign3A_73 = arith.cmpi sgt, %add3A_18, %sign3A : i32
      %sign3A_74 = arith.extui %sign3A_73 : i1 to i32
      %sign3A_75 = arith.constant 0 : i32
      %sign3A_76 = arith.cmpi slt, %add3A_18, %sign3A_75 : i32
      %sign3A_77 = arith.extui %sign3A_76 : i1 to i32
      %sign3A_78 = arith.subi %sign3A_74, %sign3A_77 : i32
      %sign3A_79 = arith.constant 0 : i32
      %sign3A_80 = arith.cmpi sgt, %jit3A, %sign3A_79 : i32
      %sign3A_81 = arith.extui %sign3A_80 : i1 to i32
      %sign3A_82 = arith.constant 0 : i32
      %sign3A_83 = arith.cmpi slt, %jit3A, %sign3A_82 : i32
      %sign3A_84 = arith.extui %sign3A_83 : i1 to i32
      %sign3A_85 = arith.subi %sign3A_81, %sign3A_84 : i32
      %ne3A = arith.cmpi ne, %sign3A_78, %sign3A_85 : i32
      %rem3A_86 = arith.remsi %add3A_18, %jit3A : i32
      %ne3A_87 = arith.constant 0 : i32
      %ne3A_88 = arith.cmpi ne, %rem3A_86, %ne3A_87 : i32
      %and3A = arith.andi %ne3A, %ne3A_88 : i1
      %sub3A = arith.constant 1 : i32
      %sub3A_89 = arith.subi %div3A, %sub3A : i32
      %select_n3A = arith.select %and3A, %sub3A_89, %div3A : i32
      %rem3A_90 = arith.constant 8 : i32
      %rem3A_91 = arith.remsi %add3A_18, %rem3A_90 : i32
      %dma_start3A_92 = arith.constant 0 : i32
      %dma_start3A_93 = tpu.memref_slice %arg4[%add3A_50, %select_n3A, %rem3A_91, %dma_start3A_92] : memref<50x8x8x4096xf32, #tpu.memory_space<hbm>> -> memref<1x1x1x4096xf32, #tpu.memory_space<hbm>>
      %dma_start3A_94 = tpu.memref_squeeze %dma_start3A_93 : memref<1x1x1x4096xf32, #tpu.memory_space<hbm>> -> memref<4096xf32, #tpu.memory_space<hbm>>
      %dma_start3A_95 = arith.constant 0 : i32
      %dma_start3A_96 = tpu.memref_slice %arg4[%add3A_50, %select_n3A, %rem3A_91, %dma_start3A_95] : memref<50x8x8x4096xf32, #tpu.memory_space<hbm>> -> memref<1x1x1x4096xf32, #tpu.memory_space<hbm>>
      %dma_start3A_97 = tpu.memref_squeeze %dma_start3A_96 : memref<1x1x1x4096xf32, #tpu.memory_space<hbm>> -> memref<4096xf32, #tpu.memory_space<hbm>>
      tpu.enqueue_dma source(%arg9 : memref<4096xf32, #tpu.memory_space<vmem>>) target(%dma_start3A_97 : memref<4096xf32, #tpu.memory_space<hbm>>) target_semaphore(%arg13 : memref<!tpu.dma_semaphore, #tpu.memory_space<semaphore_mem>>)
      %mul3A_98 = arith.constant 2 : i32
      %mul3A_99 = arith.muli %scan3A_46, %mul3A_98 : i32
      %add3A_100 = arith.constant 1 : i32
      %add3A_101 = arith.addi %mul3A_99, %add3A_100 : i32
      %dma_wait3A_102 = arith.constant 0 : i32
      %dma_wait3A_103 = tpu.memref_slice %arg5[%dma_wait3A_102] : memref<204800xi32, #tpu.memory_space<vmem_shared>> -> memref<4096xi32, #tpu.memory_space<vmem_shared>>
      %dma_wait3A_104 = arith.constant 0 : i32
      %dma_wait3A_105 = tpu.memref_slice %arg5[%dma_wait3A_104] : memref<204800xi32, #tpu.memory_space<vmem_shared>> -> memref<4096xi32, #tpu.memory_space<vmem_shared>>
      tpu.wait_dma2 semaphore(%arg12 : memref<!tpu.dma_semaphore, #tpu.memory_space<semaphore_mem>>) src(%dma_wait3A_105 : memref<4096xi32, #tpu.memory_space<vmem_shared>>) dst(%arg8 : memref<4096xi32, #tpu.memory_space<vmem>>)
      %add3A_106 = arith.constant 1 : i32
      %add3A_107 = arith.addi %add3A_101, %add3A_106 : i32
      %rem3A_108 = arith.constant 50 : i32
      %rem3A_109 = arith.remsi %add3A_107, %rem3A_108 : i32
      %mul3A_110 = arith.constant 4096 : i32
      %mul3A_111 = arith.muli %rem3A_109, %mul3A_110 : i32
      %dma_start3A_112 = tpu.memref_slice %arg5[%mul3A_111] : memref<204800xi32, #tpu.memory_space<vmem_shared>> -> memref<4096xi32, #tpu.memory_space<vmem_shared>>
      %dma_start3A_113 = tpu.memref_slice %arg5[%mul3A_111] : memref<204800xi32, #tpu.memory_space<vmem_shared>> -> memref<4096xi32, #tpu.memory_space<vmem_shared>>
      tpu.enqueue_dma source(%dma_start3A_113 : memref<4096xi32, #tpu.memory_space<vmem_shared>>) target(%arg7 : memref<4096xi32, #tpu.memory_space<vmem>>) target_semaphore(%arg11 : memref<!tpu.dma_semaphore, #tpu.memory_space<semaphore_mem>>)
      %dma_wait3A_114 = arith.constant 0 : i32
      %dma_wait3A_115 = arith.constant 0 : i32
      %dma_wait3A_116 = arith.constant 0 : i32
      %dma_wait3A_117 = arith.constant 0 : i32
      %dma_wait3A_118 = tpu.memref_slice %arg4[%dma_wait3A_114, %dma_wait3A_115, %dma_wait3A_116, %dma_wait3A_117] : memref<50x8x8x4096xf32, #tpu.memory_space<hbm>> -> memref<1x1x1x4096xf32, #tpu.memory_space<hbm>>
      %dma_wait3A_119 = tpu.memref_squeeze %dma_wait3A_118 : memref<1x1x1x4096xf32, #tpu.memory_space<hbm>> -> memref<4096xf32, #tpu.memory_space<hbm>>
      %dma_wait3A_120 = arith.constant 0 : i32
      %dma_wait3A_121 = tpu.memref_slice %arg4[%dma_wait3A_114, %dma_wait3A_115, %dma_wait3A_116, %dma_wait3A_120] : memref<50x8x8x4096xf32, #tpu.memory_space<hbm>> -> memref<1x1x1x4096xf32, #tpu.memory_space<hbm>>
      %dma_wait3A_122 = tpu.memref_squeeze %dma_wait3A_121 : memref<1x1x1x4096xf32, #tpu.memory_space<hbm>> -> memref<4096xf32, #tpu.memory_space<hbm>>
      tpu.wait_dma2 semaphore(%arg14 : memref<!tpu.dma_semaphore, #tpu.memory_space<semaphore_mem>>) src(%arg10 : memref<4096xf32, #tpu.memory_space<vmem>>) dst(%dma_wait3A_122 : memref<4096xf32, #tpu.memory_space<hbm>>)
      %parallel_loop3A_123 = arith.constant 0 : i32
      %parallel_loop3A_124 = arith.constant 4096 : i32
      %parallel_loop3A_125 = arith.constant 16 : i32
      scf.for %parallel_loop3A_158 = %parallel_loop3A_123 to %parallel_loop3A_124 step %parallel_loop3A_125  : i32 {
        %parallel_loop3A_159 = arith.index_cast %parallel_loop3A_158 : i32 to index
        %parallel_loop3A_160 = tpu.vector_load %arg8[%parallel_loop3A_159] {strides = array<i32>} : memref<4096xi32, #tpu.memory_space<vmem>>, vector<16xi32>,
        %parallel_loop3A_161 = tpu.vector_load_idx %arg6[%parallel_loop3A_160] : memref<100000xf32, #tpu.memory_space<vmem>>[vector<16xi32>], vector<16xf32>,
        %parallel_loop3A_162 = arith.index_cast %parallel_loop3A_158 : i32 to index
        %parallel_loop3A_163 = tpu.vector_load %arg10[%parallel_loop3A_162] {strides = array<i32>} : memref<4096xf32, #tpu.memory_space<vmem>>, vector<16xf32>,
        tpu.vector_store %arg10[%parallel_loop3A_162], %parallel_loop3A_161 {strides = array<i32>} : memref<4096xf32, #tpu.memory_space<vmem>>, vector<16xf32>,
      } {sc.loop_unroll_factor = 16 : i64, sc.parallel_access}
      %jit3A_126 = arith.constant 8 : i32
      %div3A_127 = arith.divsi %add3A_18, %jit3A_126 : i32
      %sign3A_128 = arith.constant 0 : i32
      %sign3A_129 = arith.cmpi sgt, %add3A_18, %sign3A_128 : i32
      %sign3A_130 = arith.extui %sign3A_129 : i1 to i32
      %sign3A_131 = arith.constant 0 : i32
      %sign3A_132 = arith.cmpi slt, %add3A_18, %sign3A_131 : i32
      %sign3A_133 = arith.extui %sign3A_132 : i1 to i32
      %sign3A_134 = arith.subi %sign3A_130, %sign3A_133 : i32
      %sign3A_135 = arith.constant 0 : i32
      %sign3A_136 = arith.cmpi sgt, %jit3A_126, %sign3A_135 : i32
      %sign3A_137 = arith.extui %sign3A_136 : i1 to i32
      %sign3A_138 = arith.constant 0 : i32
      %sign3A_139 = arith.cmpi slt, %jit3A_126, %sign3A_138 : i32
      %sign3A_140 = arith.extui %sign3A_139 : i1 to i32
      %sign3A_141 = arith.subi %sign3A_137, %sign3A_140 : i32
      %ne3A_142 = arith.cmpi ne, %sign3A_134, %sign3A_141 : i32
      %rem3A_143 = arith.remsi %add3A_18, %jit3A_126 : i32
      %ne3A_144 = arith.constant 0 : i32
      %ne3A_145 = arith.cmpi ne, %rem3A_143, %ne3A_144 : i32
      %and3A_146 = arith.andi %ne3A_142, %ne3A_145 : i1
      %sub3A_147 = arith.constant 1 : i32
      %sub3A_148 = arith.subi %div3A_127, %sub3A_147 : i32
      %select_n3A_149 = arith.select %and3A_146, %sub3A_148, %div3A_127 : i32
      %rem3A_150 = arith.constant 8 : i32
      %rem3A_151 = arith.remsi %add3A_18, %rem3A_150 : i32
      %dma_start3A_152 = arith.constant 0 : i32
      %dma_start3A_153 = tpu.memref_slice %arg4[%add3A_101, %select_n3A_149, %rem3A_151, %dma_start3A_152] : memref<50x8x8x4096xf32, #tpu.memory_space<hbm>> -> memref<1x1x1x4096xf32, #tpu.memory_space<hbm>>
      %dma_start3A_154 = tpu.memref_squeeze %dma_start3A_153 : memref<1x1x1x4096xf32, #tpu.memory_space<hbm>> -> memref<4096xf32, #tpu.memory_space<hbm>>
      %dma_start3A_155 = arith.constant 0 : i32
      %dma_start3A_156 = tpu.memref_slice %arg4[%add3A_101, %select_n3A_149, %rem3A_151, %dma_start3A_155] : memref<50x8x8x4096xf32, #tpu.memory_space<hbm>> -> memref<1x1x1x4096xf32, #tpu.memory_space<hbm>>
      %dma_start3A_157 = tpu.memref_squeeze %dma_start3A_156 : memref<1x1x1x4096xf32, #tpu.memory_space<hbm>> -> memref<4096xf32, #tpu.memory_space<hbm>>
      tpu.enqueue_dma source(%arg10 : memref<4096xf32, #tpu.memory_space<vmem>>) target(%dma_start3A_157 : memref<4096xf32, #tpu.memory_space<hbm>>) target_semaphore(%arg14 : memref<!tpu.dma_semaphore, #tpu.memory_space<semaphore_mem>>)
    }
    %scan3A_24 = arith.constant 25 : i32
    %dma_wait3A = arith.constant 0 : i32
    %dma_wait3A_25 = tpu.memref_slice %arg5[%dma_wait3A] : memref<204800xi32, #tpu.memory_space<vmem_shared>> -> memref<4096xi32, #tpu.memory_space<vmem_shared>>
    %dma_wait3A_26 = arith.constant 0 : i32
    %dma_wait3A_27 = tpu.memref_slice %arg5[%dma_wait3A_26] : memref<204800xi32, #tpu.memory_space<vmem_shared>> -> memref<4096xi32, #tpu.memory_space<vmem_shared>>
    tpu.wait_dma2 semaphore(%arg11 : memref<!tpu.dma_semaphore, #tpu.memory_space<semaphore_mem>>) src(%dma_wait3A_27 : memref<4096xi32, #tpu.memory_space<vmem_shared>>) dst(%arg7 : memref<4096xi32, #tpu.memory_space<vmem>>)
    %dma_wait3A_28 = arith.constant 0 : i32
    %dma_wait3A_29 = arith.constant 0 : i32
    %dma_wait3A_30 = arith.constant 0 : i32
    %dma_wait3A_31 = arith.constant 0 : i32
    %dma_wait3A_32 = tpu.memref_slice %arg4[%dma_wait3A_28, %dma_wait3A_29, %dma_wait3A_30, %dma_wait3A_31] : memref<50x8x8x4096xf32, #tpu.memory_space<hbm>> -> memref<1x1x1x4096xf32, #tpu.memory_space<hbm>>
    %dma_wait3A_33 = tpu.memref_squeeze %dma_wait3A_32 : memref<1x1x1x4096xf32, #tpu.memory_space<hbm>> -> memref<4096xf32, #tpu.memory_space<hbm>>
    %dma_wait3A_34 = arith.constant 0 : i32
    %dma_wait3A_35 = tpu.memref_slice %arg4[%dma_wait3A_28, %dma_wait3A_29, %dma_wait3A_30, %dma_wait3A_34] : memref<50x8x8x4096xf32, #tpu.memory_space<hbm>> -> memref<1x1x1x4096xf32, #tpu.memory_space<hbm>>
    %dma_wait3A_36 = tpu.memref_squeeze %dma_wait3A_35 : memref<1x1x1x4096xf32, #tpu.memory_space<hbm>> -> memref<4096xf32, #tpu.memory_space<hbm>>
    tpu.wait_dma2 semaphore(%arg13 : memref<!tpu.dma_semaphore, #tpu.memory_space<semaphore_mem>>) src(%arg9 : memref<4096xf32, #tpu.memory_space<vmem>>) dst(%dma_wait3A_36 : memref<4096xf32, #tpu.memory_space<hbm>>)
    %dma_wait3A_37 = arith.constant 0 : i32
    %dma_wait3A_38 = arith.constant 0 : i32
    %dma_wait3A_39 = arith.constant 0 : i32
    %dma_wait3A_40 = arith.constant 0 : i32
    %dma_wait3A_41 = tpu.memref_slice %arg4[%dma_wait3A_37, %dma_wait3A_38, %dma_wait3A_39, %dma_wait3A_40] : memref<50x8x8x4096xf32, #tpu.memory_space<hbm>> -> memref<1x1x1x4096xf32, #tpu.memory_space<hbm>>
    %dma_wait3A_42 = tpu.memref_squeeze %dma_wait3A_41 : memref<1x1x1x4096xf32, #tpu.memory_space<hbm>> -> memref<4096xf32, #tpu.memory_space<hbm>>
    %dma_wait3A_43 = arith.constant 0 : i32
    %dma_wait3A_44 = tpu.memref_slice %arg4[%dma_wait3A_37, %dma_wait3A_38, %dma_wait3A_39, %dma_wait3A_43] : memref<50x8x8x4096xf32, #tpu.memory_space<hbm>> -> memref<1x1x1x4096xf32, #tpu.memory_space<hbm>>
    %dma_wait3A_45 = tpu.memref_squeeze %dma_wait3A_44 : memref<1x1x1x4096xf32, #tpu.memory_space<hbm>> -> memref<4096xf32, #tpu.memory_space<hbm>>
    tpu.wait_dma2 semaphore(%arg14 : memref<!tpu.dma_semaphore, #tpu.memory_space<semaphore_mem>>) src(%arg10 : memref<4096xf32, #tpu.memory_space<vmem>>) dst(%dma_wait3A_45 : memref<4096xf32, #tpu.memory_space<hbm>>)
    return
  }
}

</mosaic_0001>

<sc_bundles>
// kernel: kernel.3.cloned.1.call-start
scs
__scs_entry_jumppad:
0x0: {  	(pc) =	sbr.rel $0x88, $3  }
0x1: {  	(tag) =	ssettag $0x0;
	lr =	simm.s32 $0x1  }
0x2: {  	[smem:$0x3F9F] =	sst lr;
	_ =	strace $0xD0000000  }
0x3: {  	_ = 	snop  }
0x4: {  	_ = 	snop  }
0x5: {  	_ = 	snop  }
0x6: {  	_ = 	snop  }
0x7: {  	_ = 	snop  }
__scs_overlays_trampoline_lowered:
0x8: {  	[smem:$0x3FAE] =	sst s0  }
0x9: {  	[smem:$0x3FAF] =	sst s1  }
0xa: {  	[smem:$0x3FB0] =	sst s2  }
0xb: {  	[smem:$0x3FB1] =	sst s3  }
0xc: {  	[smem:$0x3FB2] =	sst s4  }
0xd: {  	[smem:$0x3FB3] =	sst s5  }
0xe: {  	[smem:$0x3FB4] =	sst s6  }
0xf: {  	[smem:$0x3FB5] =	sst s7  }
0x10: {  	[smem:$0x3FB6] =	sst s8  }
0x11: {  	[smem:$0x3FB7] =	sst s9;
	s0 =	simm.s32 @!p0 $0x0  }
0x12: {  	s1 =	sld [smem:$0x3F9D];
	s0 =	simm.s32 @p0 $0x1  }
0x13: {  	[smem:$0x3FB8] =	sst s0;
	s0 =	simm.s32 @!p1 $0x0  }
0x14: {  	s2 =	sld [smem:$0x3F9C];
	s0 =	simm.s32 @p1 $0x1  }
0x15: {  	[smem:$0x3FB9] =	sst s0;
	s0 =	simm.s32 @!p2 $0x0  }
0x16: {  	s3 =	sld [smem:$0x3FDB];
	s0 =	simm.s32 @p2 $0x1  }
0x17: {  	s4 =	simm.s32 $0x1BF5;
	[smem:$0x3FBB] =	sst s0  }
0x18: {  	s0 =	sld [smem:$0x3F9E];
	_ =	swait.ge [sflag:s4], $0x0  }
0x19: {  	s7 =	sld [smem:$0x3F9F]  }
0x1a: {  	s8 =	sadd.s32 $0xFFFFE003, lr  }
0x1b: {  	s9 =	sadd.s32 $0xFFFFFEF7, lr;
	s5 =	simm.s32 $0xFFFFFFFF;
	p2 =	slt.u32 s8, $0xFFFFF086  }
0x1c: {  	p1 =	slt.u32 s9, $0xF7A;
	s5 =	simm.s32 @!p2 $0x0  }
0x1d: {  	s5 =	simm.s32 @p1 $0x1;
	p0 =	seq.s32 s7, s2  }
0x1e: {  	s7 =	smul.u32 @!p0 $0xF7A, s2;
	p2 =	seq.s32 @!p0 s5, $0x0  }
0x1f: {  	s9 =	smul.u32 $0xF7A, s1;
	s8 =	simm.s32 @!p0 $0x1BF5;
	p2 =	por !p2, p0  }
0x20: {  	[sflag:s8] =	ssyncset.s32 @!p0 $0xFFFFF086;
	s6 =	sadd.s32 @!p0 s3, s7;
	s7 =	simm.s32 @!p0 $0x108  }
0x21: {  	s3 =	sadd.s32 s3, s9;
	s6 =	sadd.s32 @!p0 $0x88, s6;
	s7 =	simm.s32 @p2 $0x1082  }
0x22: {  	[simem:s7], [sflag:s8] =	dma.local @!p0 [hbm:s6], $0xF7A  }
0x23: {  	s9 =	sor.u32 $0xD0000000, s2;
	s6 =	simm.s32 $0x108;
	_ =	swait.ge @!p0 [sflag:s8], $0x0  }
0x24: {  	s3 =	sadd.s32 $0x88, s3;
	s6 =	simm.s32 @!p1 $0x1082;
	[sflag:s4] =	ssyncset.s32 $0xFFFFF086  }
0x25: {  	[simem:s6], [sflag:s4] =	dma.local [hbm:s3], $0xF7A  }
0x26: {  	[smem:$0x3F9F] =	sst s1;
	(tag) =	ssettag s2;
	_ =	strace s9  }
0x27: {  	s1 =	sld [smem:$0x3FAF]  }
0x28: {  	s2 =	sld [smem:$0x3FB0]  }
0x29: {  	s4 =	sld [smem:$0x3FB2]  }
0x2a: {  	p0 =	seq.s32 s5, $0x0;
	s5 =	sld [smem:$0x3FB3]  }
0x2b: {  	s6 =	sld [smem:$0x3FB4]  }
0x2c: {  	s7 =	sld [smem:$0x3FB5]  }
0x2d: {  	s3 =	simm.s32 $0x108;
	s8 =	sld [smem:$0x3FB6]  }
0x2e: {  	s3 =	simm.s32 @!p0 $0x1082;
	s9 =	sld [smem:$0x3FB7]  }
0x2f: {  	lr =	sadd.s32 s0, s3;
	s0 =	sld [smem:$0x3FAE]  }
0x30: {  	s3 =	sld [smem:$0x3FB1]  }
0x31: {  	[smem:$0x3FBA] =	sst s10  }
0x32: {  	s10 =	sld [smem:$0x3FB8];
	_ =	sdelay $0x3  }
0x33: {  	p0 =	seq.s32 s10, $0x1;
	s10 =	sld [smem:$0x3FBA];
	_ =	sdelay $0x3  }
0x34: {  	[smem:$0x3FBA] =	sst s10  }
0x35: {  	s10 =	sld [smem:$0x3FB9];
	_ =	sdelay $0x3  }
0x36: {  	p1 =	seq.s32 s10, $0x1;
	s10 =	sld [smem:$0x3FBA];
	_ =	sdelay $0x3  }
0x37: {  	[smem:$0x3FBA] =	sst s10  }
0x38: {  	s10 =	sld [smem:$0x3FBB]  }
0x39: {  	_ = 	snop;
	(pc) =	sbr.ind lr, $3  }
0x3a: {  	_ = 	snop  }
0x3b: {  	_ = 	snop  }
0x3c: {  	p2 =	seq.s32 s10, $0x1;
	s10 =	sld [smem:$0x3FBA]  }
0x3d: {  	_ =	shalt  }
0x3e: {  	_ =	shalt  }
0x3f: {  	_ =	shalt  }
0x40: {  	_ =	shalt  }
0x41: {  	_ =	shalt  }
0x42: {  	_ =	shalt  }
0x43: {  	_ =	shalt  }
0x44: {  	_ =	shalt  }
0x45: {  	_ =	shalt  }
0x46: {  	_ =	shalt  }
0x47: {  	_ =	shalt  }
0x48: {  	_ =	shalt  }
0x49: {  	_ =	shalt  }
0x4a: {  	_ =	shalt  }
0x4b: {  	_ =	shalt  }
0x4c: {  	_ =	shalt  }
0x4d: {  	_ =	shalt  }
0x4e: {  	_ =	shalt  }
0x4f: {  	_ =	shalt  }
0x50: {  	_ =	shalt  }
0x51: {  	_ =	shalt  }
0x52: {  	_ =	shalt  }
0x53: {  	_ =	shalt  }
0x54: {  	_ =	shalt  }
0x55: {  	_ =	shalt  }
0x56: {  	_ =	shalt  }
0x57: {  	_ =	shalt  }
0x58: {  	_ =	shalt  }
0x59: {  	_ =	shalt  }
0x5a: {  	_ =	shalt  }
0x5b: {  	_ =	shalt  }
0x5c: {  	_ =	shalt  }
0x5d: {  	_ =	shalt  }
0x5e: {  	_ =	shalt  }
0x5f: {  	_ =	shalt  }
0x60: {  	_ =	shalt  }
0x61: {  	_ =	shalt  }
0x62: {  	_ =	shalt  }
0x63: {  	_ =	shalt  }
0x64: {  	_ =	shalt  }
0x65: {  	_ =	shalt  }
0x66: {  	_ =	shalt  }
0x67: {  	_ =	shalt  }
0x68: {  	_ =	shalt  }
0x69: {  	_ =	shalt  }
0x6a: {  	_ =	shalt  }
0x6b: {  	_ =	shalt  }
0x6c: {  	_ =	shalt  }
0x6d: {  	_ =	shalt  }
0x6e: {  	_ =	shalt  }
0x6f: {  	_ =	shalt  }
0x70: {  	_ =	shalt  }
0x71: {  	_ =	shalt  }
0x72: {  	_ =	shalt  }
0x73: {  	_ =	shalt  }
0x74: {  	_ =	shalt  }
0x75: {  	_ =	shalt  }
0x76: {  	_ =	shalt  }
0x77: {  	_ =	shalt  }
0x78: {  	_ =	shalt  }
0x79: {  	_ =	shalt  }
0x7a: {  	_ =	shalt  }
0x7b: {  	_ =	shalt  }
0x7c: {  	_ =	shalt  }
0x7d: {  	_ =	shalt  }
0x7e: {  	_ =	shalt  }
0x7f: {  	_ =	shalt  }
0x80: {  	_ =	shalt  }
0x81: {  	_ =	shalt  }
0x82: {  	_ =	shalt  }
0x83: {  	_ =	shalt  }
0x84: {  	_ =	shalt  }
0x85: {  	_ =	shalt  }
0x86: {  	_ =	shalt  }
0x87: {  	_ =	shalt  }
.Lfunc_end0:
.L_simem_size_0:
called_computation_lowered:
.L_overlay_start_0:
0x88: {  	s2 =	sld [smem:$0x3FD9]  }
0x89: {  	s3 =	sld [smem:$0x3FFE];
	_ =	sdelay $0x1  }
0x8a: {  	s1 =	srdreg.scid  }
0x8b: {  	s0 =	sand.u32 $0x1, s1  }
0x8c: {  	s17 =	sshll.u32 s0, $0xA;
	s2 =	sadd.s32 s3, s2  }
0x8d: {  	s2 =	sadd.s32 s2, s17  }
0x8e: {  	[smem:$0x3FC6] =	sst s2  }
0x8f: {  	_ = 	snop  }
0x90: {  	s2 =	sld [smem:$0x3FC8]  }
0x91: {  	s18 =	sld [smem:$0x3FD0];
	(tm) =	ssettm $0x1  }
0x92: {  	s4 =	sld [smem:$0x3FFB];
	_ =	sdelay $0x3  }
0x93: {  	_ =	strace s4  }
0x94: {  	s4 =	sld [smem:$0x3FFC];
	_ =	sdelay $0x3  }
0x95: {  	_ =	strace s4  }
0x96: {  	s4 =	sld [smem:$0x3FFD];
	_ =	sdelay $0x3  }
0x97: {  	_ =	strace s4  }
0x98: {  	_ =	strace $0x8FFFFFFF  }
0x99: {  	s19 =	sld [smem:$0x3FDB];
	_ =	sdelay $0x1  }
0x9a: {  	s5 =	simm.s32 $_scs_section_size  }
0x9b: {  	s6 =	simm.s32 $_size__tile_overlayer_lowered;
	s7 =	simm.s32 $_tile_overlayer_lowered  }
0x9c: {  	s22 =	simm.s32 $0x1BFF;
	s21 =	sshll.u32 s7, $0x1;
	s4 =	sadd.s32 s5, s19  }
0x9d: {  	s8 =	simm.s32 $0x0;
	s20 =	sshll.u32 s6, $0x1;
	s6 =	sadd.s32 s21, s4  }
0x9e: {  	[timem:s8], [sflag:s22] =	dma.local [hbm:s6], s20  }
0x9f: {  	_ =	swait.ge [sflag:s22], s20  }
0xa0: {  	s5 =	ssub.s32 $0x0, s20;
	[sflag:s22] =	ssyncset.done $0x0  }
0xa1: {  	[sflag:s22] =	ssyncadd.s32 s5;
	_ =	sdelay $0x1  }
0xa2: {  	s23 =	simm.s32 $0x1B8B  }
0xa3: {  	_ =	swait.ge [sflag:s23], $0x1  }
0xa4: {  	[sflag:s23] =	ssyncset.done $0x0  }
0xa5: {  	s25 =	simm.s32 $0x1B8E;
	s24 =	sld [smem:$0x3FFE];
	[sflag:s23] =	ssyncadd.s32 $0xFFFFFFFF  }
0xa6: {  	s26 =	simm.s32 $execute0_lowered;
	[smem:$0x3FD2] =	sst s25  }
0xa7: {  	s6 =	sshll.u32 s26, $0x1;
	_ =	strace $0x80000046;
	[dreg:$0x1] =	wrdreg $0xFFFFFFFF  }
0xa8: {  	s28 =	simm.s32 $_size_execute0_lowered;
	s4 =	sadd.s32 s4, s6;
	[dreg:$0x0] =	wrdreg $0x0  }
0xa9: {  	s6 =	sshll.u32 s28, $0x1;
	[dreg:$0x2] =	wrdreg s4  }
0xaa: {  	[dreg:$0x3] =	wrdreg s6  }
0xab: {  	[dreg:$0x4] =	wrdreg $0xC0  }
0xac: {  	_ =	task [dreg:s8], $0x5FFFF  }
0xad: {  	[dreg:$0x1] =	wrdreg $0xFFFFFFFF  }
0xae: {  	[dreg:$0x0] =	wrdreg $0x60  }
0xaf: {  	[dreg:$0x2] =	wrdreg s2  }
0xb0: {  	[dreg:$0x3] =	wrdreg s24  }
0xb1: {  	[dreg:$0x4] =	wrdreg s18  }
0xb2: {  	[dreg:$0x5] =	wrdreg $0x0  }
0xb3: {  	[dreg:$0x6] =	wrdreg $0x9  }
0xb4: {  	_ =	task.clear_ibuf [dreg:s8], $0x7FFFF;
	_ =	strace $0x90000046  }
0xb5: {  	s29 =	simm.s32 $0x9;
	_ =	strace $0x80000048  }
0xb6: {  	_ =	swait.ge [sflag:s29], $0x1  }
0xb7: {  	[sflag:s29] =	ssyncadd.s32 $0xFFFFFFFF  }
0xb8: {  	_ =	strace $0x90000048  }
0xb9: {  	_ =	sfence  }
0xba: {  	s30 =	sld [smem:$0x0];
	_ =	sdelay $0x2  }
0xbb: {  	s31 =	sshll.u32 s1, $0xD;
	s1 =	sshrl.u32 s1, $0x2  }
0xbc: {  	s3 =	sand.u32 $0x4000, s31;
	s1 =	sadd.s32 s1, s30  }
0xbd: {  	s0 =	sor.u32 s3, s0;
	s1 =	sshll.u32 s1, $0x11  }
0xbe: {  	s0 =	sor.u32 s1, s0  }
0xbf: {  	s0 =	sadd.s32 $0x8F2B, s0  }
0xc0: {  	[sflag:s0] =	ssyncadd.remote.s32 $0x1  }
0xc1: {  	_ =	sfence.sel $0xFFFF  }
0xc2: {  	[dreg:$0x0] =	wrdreg $0xFFFFFFFF;
	(pc) =	sbr.abs _section_cstart, $3  }
0xc3: {  	[dreg:$0x1] =	wrdreg $0xFFFFFFFF  }
0xc4: {  	_ =	task.clear_ibuf [dreg:s8], $0x2FFFF;
	_ =	strace $0x9FFFFFFF  }
0xc5: {  	(tm) =	ssettm $0x7FFFFFFF  }
tec
execute0_lowered:
.L_overlay_start_1:
0x0: {  	(tag) =	ssettag $0x1  }
0x1: {  	s6 =	rddreg [dreg:$0x0]  }
0x2: {  	s4 =	rddreg [dreg:$0x1]  }
0x3: {  	s1 =	rddreg [dreg:$0x2]  }
0x4: {  	s2 =	rddreg [dreg:$0x3]  }
0x5: {  	s0 =	rddreg [dreg:$0x4]  }
0x6: {  	s3 =	simm.s32 $0x0;
	s5 =	srdreg.scid;
	s8 =	stileid.u32  }
0x7: {  	s13 =	simm.s32 $0x400;
	s14 =	simm.s32 $0x3200;
	s15 =	simm.s32 $0x5  }
0x8: {  	s16 =	simm.s32 $0x1;
	s17 =	simm.s32 $0x1C900;
	s18 =	simm.s32 $0x1D900  }
0x9: {  	s19 =	simm.s32 $0x2;
	s20 =	simm.s32 $0x1E900;
	s21 =	simm.s32 $0x3  }
0xa: {  	s22 =	simm.s32 $0x4;
	[smem:$0x7FF] =	sst s3;
	s5 =	sand.u32 $0x1, s5  }
0xb: {  	s9 =	sshll.u32 s8, $0x9;
	s10 =	sshrl.u32 s8, $0x1;
	s4 =	sadd.s32 $0x400, s4  }
0xc: {  	s12 =	sshll.u32 s8, $0xE;
	p0 =	sne.s32 s8, $0x0;
	s7 =	ssub.s32 $0x2, s5  }
0xd: {  	s5 =	sshll.u32 s5, $0x8;
	s10 =	smul.u32 $0xC3800, s10;
	s9 =	sand.u32 $0x200, s9  }
0xe: {  	_ =	strace $0x80000047;
	s11 =	sshrl.u32 s7, $0x1;
	s9 =	sor.u32 s5, s9  }
0xf: {  	s12 =	sand.u32 $0x38000, s12;
	s7 =	ssub.s32 s7, s11;
	s5 =	sor.u32 s10, s9  }
0x10: {  	s31 =	sor.u32 $0x80, s9;
	s8 =	sor.u32 s9, s12;
	s11 =	simm.s32 $0x1B900  }
0x11: {  	s5 =	sshrl.u32 s5, $0x3;
	s10 =	sor.u32 s10, s31;
	s7 =	smax.u32 s7, $0x1  }
0x12: {  	s9 =	sor.u32 s31, s12;
	s12 =	simm.s32 $0x80;
	s10 =	sshrl.u32 s10, $0x3  }
0x13: {  	s5 =	sadd.s32 s6, s5;
	s6 =	sadd.s32 s6, s10;
	s10 =	sshrl.u32 @!p0 s2, $0x3  }
.LBB2_1:
0x14: {  	s23 =	simm.s32 @!p0 $0x1C05  }
0x15: {  	[spmem:s10], [sflag:s23] =	dma.local @!p0 [hbm:s4], $0x6400  }
0x16: {  	s23 =	simm.s32 @!p0 $0x5  }
0x17: {  	_ =	swait.ge @!p0 [sflag:s23], $0x6400  }
0x18: {  	[sflag:s23] =	ssyncset.done @!p0 $0x0  }
0x19: {  	[sflag:s23] =	ssyncadd.s32 @!p0 $0xFFFF9C00  }
0x1a: {  	[bflag:$0x0] =	sbarrier.arrive $0xFFFF  }
0x1b: {  	[tilespmem:s11], [sflag:$0x1] =	stream.linear.gather [spmem:s2], $0x1000, $0x38;
	[tilespmem:$0x1F900] =	vst v63  }
0x1c: {  	_ = 	snop  }
0x1d: {  	[tilespmem:s14], [sflag:$0x5] =	stream.strided.gather [hbm4b:s5+s12], $0x18700, s13, s12, $0x38;
	[tilespmem:$0x1F900] =	vst v63  }
0x1e: {  	_ =	swait.ge [sflag:s15], $0x18700  }
0x1f: {  	[sflag:s15] =	ssyncset.done $0x0  }
0x20: {  	s23 =	simm.s32 $0x0;
	[sflag:s15] =	ssyncadd.s32 $0xFFFE7900  }
.LBB2_2:
0x21: {  	s24 =	sshllo.u32 s23, $0x1  }
0x22: {  	_ =	swait.ge [sflag:s16], $0x1000;
	s25 =	sshll.u32 s24, $0xC  }
0x23: {  	[sflag:s16] =	ssyncset.done $0x0;
	s25 =	sand.u32 $0x3FFFF000, s25  }
0x24: {  	p1 =	seq.s32 s23, $0x0;
	[sflag:s16] =	ssyncadd.s32 $0xFFFFF000;
	s25 =	sadd.s32 s25, s2  }
0x25: {  	[tilespmem:s17], [sflag:$0x2] =	stream.linear.gather [spmem:s25], $0x1000, $0x38;
	[tilespmem:$0x1F900] =	vst v63  }
0x26: {  	s25 =	simm.s32 @!p1 $0x3  }
0x27: {  	_ =	swait.ge @!p1 [sflag:s25], $0x1000  }
0x28: {  	[sflag:s25] =	ssyncset.done @!p1 $0x0  }
0x29: {  	s31 =	simm.s32 $0x1B980;
	[sflag:s25] =	ssyncadd.s32 @!p1 $0xFFFFF000  }
0x2a: {  	v0 =	vld [tilespmem:s31+$0x70]  }
0x2b: {  	v1 =	vld [tilespmem:s31+$0xFFFFFF90]  }
0x2c: {  	v2 =	vld [tilespmem:s31+$0xFFFFFFA0]  }
0x2d: {  	v3 =	vld [tilespmem:s31+$0xFFFFFFB0]  }
0x2e: {  	v4 =	vld [tilespmem:s31+$0xFFFFFFC0]  }
0x2f: {  	v5 =	vld [tilespmem:s31+$0xFFFFFFD0]  }
0x30: {  	v6 =	vld [tilespmem:s31+$0xFFFFFFE0]  }
0x31: {  	v7 =	vld [tilespmem:s31+$0xFFFFFFF0]  }
0x32: {  	v8 =	vld [tilespmem:s31+$0x0]  }
0x33: {  	v9 =	vld [tilespmem:s31+$0x10]  }
0x34: {  	v10 =	vld [tilespmem:s31+$0x20]  }
0x35: {  	v11 =	vld [tilespmem:s31+$0x30]  }
0x36: {  	v12 =	vld [tilespmem:s31+$0x40]  }
0x37: {  	v13 =	vld [tilespmem:s31+$0x50]  }
0x38: {  	v14 =	vld [tilespmem:s31+$0x60]  }
0x39: {  	v15 =	vld [tilespmem:s31+$0xFFFFFF80]  }
0x3a: {  	v0 =	vld.idx.msk [tilespmem:v0+s14+$0x0], $0xffff  }
0x3b: {  	v1 =	vld.idx.msk [tilespmem:v1+s14+$0x0], $0xffff  }
0x3c: {  	v2 =	vld.idx.msk [tilespmem:v2+s14+$0x0], $0xffff  }
0x3d: {  	v3 =	vld.idx.msk [tilespmem:v3+s14+$0x0], $0xffff  }
0x3e: {  	v4 =	vld.idx.msk [tilespmem:v4+s14+$0x0], $0xffff  }
0x3f: {  	s25 =	simm.s32 $0x1D980;
	v5 =	vld.idx.msk [tilespmem:v5+s14+$0x0], $0xffff  }
0x40: {  	v6 =	vld.idx.msk [tilespmem:v6+s14+$0x0], $0xffff;
	[tilespmem:s25+$0x70] =	vst v0  }
0x41: {  	v7 =	vld.idx.msk [tilespmem:v7+s14+$0x0], $0xffff;
	[tilespmem:s25+$0xFFFFFF90] =	vst v1  }
0x42: {  	v15 =	vld.idx.msk [tilespmem:v15+s14+$0x0], $0xffff;
	[tilespmem:s25+$0xFFFFFFA0] =	vst v2  }
0x43: {  	v8 =	vld.idx.msk [tilespmem:v8+s14+$0x0], $0xffff;
	[tilespmem:s25+$0xFFFFFFB0] =	vst v3  }
0x44: {  	[tilespmem:s25+$0xFFFFFFC0] =	vst v4;
	v0 =	vld.idx.msk [tilespmem:v9+s14+$0x0], $0xffff  }
0x45: {  	[tilespmem:s25+$0xFFFFFFD0] =	vst v5;
	v1 =	vld.idx.msk [tilespmem:v10+s14+$0x0], $0xffff  }
0x46: {  	[tilespmem:s25+$0xFFFFFFE0] =	vst v6;
	v2 =	vld.idx.msk [tilespmem:v11+s14+$0x0], $0xffff  }
0x47: {  	[tilespmem:s25+$0xFFFFFFF0] =	vst v7;
	v3 =	vld.idx.msk [tilespmem:v12+s14+$0x0], $0xffff  }
0x48: {  	[tilespmem:s25+$0xFFFFFF80] =	vst v15;
	v4 =	vld.idx.msk [tilespmem:v13+s14+$0x0], $0xffff  }
0x49: {  	s26 =	sshll.u32 s23, $0x1;
	s28 =	simm.s32 $0x0;
	s29 =	simm.s32 $0x1BA80;
	[tilespmem:s25+$0x0] =	vst v8;
	v5 =	vld.idx.msk [tilespmem:v14+s14+$0x0], $0xffff  }
.LBB2_3:
0x4a: {  	v6 =	vld [tilespmem:s29+$0x70];
	s28 =	sadd.s32 $0x100, s28;
	[tilespmem:s25+$0x10] =	vst v0  }
0x4b: {  	v0 =	vld [tilespmem:s29+$0xFFFFFF90];
	p2 =	slt.u32 s28, $0xF00;
	[tilespmem:s25+$0x20] =	vst v1  }
0x4c: {  	v1 =	vld [tilespmem:s29+$0xFFFFFFA0];
	[tilespmem:s25+$0x30] =	vst v2  }
0x4d: {  	v2 =	vld [tilespmem:s29+$0xFFFFFFB0];
	[tilespmem:s25+$0x40] =	vst v3  }
0x4e: {  	v3 =	vld [tilespmem:s29+$0xFFFFFFC0];
	[tilespmem:s25+$0x50] =	vst v4  }
0x4f: {  	v4 =	vld [tilespmem:s29+$0xFFFFFFD0];
	[tilespmem:s25+$0x60] =	vst v5  }
0x50: {  	v5 =	vld [tilespmem:s29+$0xFFFFFFE0]  }
0x51: {  	v7 =	vld [tilespmem:s29+$0xFFFFFFF0]  }
0x52: {  	v6 =	vld.idx.msk [tilespmem:v6+s14+$0x0], $0xffff  }
0x53: {  	v8 =	vld [tilespmem:s29+$0x0]  }
0x54: {  	v9 =	vld [tilespmem:s29+$0x10]  }
0x55: {  	v10 =	vld [tilespmem:s29+$0x20]  }
0x56: {  	v11 =	vld [tilespmem:s29+$0x30]  }
0x57: {  	s25 =	sadd.s32 $0x100, s25;
	v12 =	vld [tilespmem:s29+$0x40]  }
0x58: {  	v13 =	vld [tilespmem:s29+$0x50];
	[tilespmem:s25+$0x70] =	vst v6  }
0x59: {  	v6 =	vld [tilespmem:s29+$0x60]  }
0x5a: {  	v14 =	vld [tilespmem:s29+$0xFFFFFF80]  }
0x5b: {  	v0 =	vld.idx.msk [tilespmem:v0+s14+$0x0], $0xffff  }
0x5c: {  	v1 =	vld.idx.msk [tilespmem:v1+s14+$0x0], $0xffff  }
0x5d: {  	v2 =	vld.idx.msk [tilespmem:v2+s14+$0x0], $0xffff  }
0x5e: {  	v3 =	vld.idx.msk [tilespmem:v3+s14+$0x0], $0xffff  }
0x5f: {  	v4 =	vld.idx.msk [tilespmem:v4+s14+$0x0], $0xffff  }
0x60: {  	v5 =	vld.idx.msk [tilespmem:v5+s14+$0x0], $0xffff  }
0x61: {  	[tilespmem:s25+$0xFFFFFF90] =	vst v0;
	v7 =	vld.idx.msk [tilespmem:v7+s14+$0x0], $0xffff  }
0x62: {  	v14 =	vld.idx.msk [tilespmem:v14+s14+$0x0], $0xffff;
	[tilespmem:s25+$0xFFFFFFA0] =	vst v1  }
0x63: {  	[tilespmem:s25+$0xFFFFFFB0] =	vst v2;
	v8 =	vld.idx.msk [tilespmem:v8+s14+$0x0], $0xffff  }
0x64: {  	[tilespmem:s25+$0xFFFFFFC0] =	vst v3;
	v0 =	vld.idx.msk [tilespmem:v9+s14+$0x0], $0xffff  }
.Ltmp0:
0x65: {  	[tilespmem:s25+$0xFFFFFFD0] =	vst v4;
	v1 =	vld.idx.msk [tilespmem:v10+s14+$0x0], $0xffff;
	(pc) =	sbr.rel @p2 .LBB2_3-.Ltmp0, $4  }
0x66: {  	[tilespmem:s25+$0xFFFFFFE0] =	vst v5;
	v2 =	vld.idx.msk [tilespmem:v11+s14+$0x0], $0xffff  }
0x67: {  	[tilespmem:s25+$0xFFFFFFF0] =	vst v7;
	v3 =	vld.idx.msk [tilespmem:v12+s14+$0x0], $0xffff  }
0x68: {  	[tilespmem:s25+$0xFFFFFF80] =	vst v14;
	v4 =	vld.idx.msk [tilespmem:v13+s14+$0x0], $0xffff  }
0x69: {  	s29 =	sadd.s32 $0x100, s29;
	[tilespmem:s25+$0x0] =	vst v8;
	v5 =	vld.idx.msk [tilespmem:v6+s14+$0x0], $0xffff  }
0x6a: {  	[tilespmem:s25+$0x10] =	vst v0  }
0x6b: {  	[tilespmem:s25+$0x20] =	vst v1  }
0x6c: {  	s28 =	sshll.u32 s23, $0x13;
	[tilespmem:s25+$0x30] =	vst v2  }
0x6d: {  	s28 =	sor.u32 s8, s28;
	[tilespmem:s25+$0x40] =	vst v3  }
0x6e: {  	s30 =	sadd.s32 $0x2, s26;
	s28 =	sshrl.u32 s28, $0x3;
	[tilespmem:s25+$0x50] =	vst v4  }
0x6f: {  	p2 =	seq.s32 s30, $0x32;
	s29 =	sadd.s32 s1, s28;
	[tilespmem:s25+$0x60] =	vst v5;
	s25 =	sshll.u32 s30, $0xE  }
0x70: {  	[hbm4b:s29+s12] =	stream.strided.scatter [tilespmem:s18], [sflag:$0x3], $0x1000, s13, s12, $0x38;
	[tilespmem:$0x1F900] =	vst v63  }
0x71: {  	s25 =	simm.s32 @p2 $0x0;
	_ =	swait.ge [sflag:s19], $0x1000  }
0x72: {  	s25 =	sshrl.u32 s25, $0x2;
	[sflag:s19] =	ssyncset.done $0x0  }
0x73: {  	s25 =	sadd.s32 s25, s2;
	[sflag:s19] =	ssyncadd.s32 $0xFFFFF000  }
0x74: {  	[tilespmem:s11], [sflag:$0x1] =	stream.linear.gather [spmem:s25], $0x1000, $0x38;
	[tilespmem:$0x1F900] =	vst v63  }
0x75: {  	s25 =	simm.s32 @!p1 $0x4  }
0x76: {  	_ =	swait.ge @!p1 [sflag:s25], $0x1000  }
0x77: {  	[sflag:s25] =	ssyncset.done @!p1 $0x0  }
0x78: {  	s31 =	simm.s32 $0x1C980;
	[sflag:s25] =	ssyncadd.s32 @!p1 $0xFFFFF000  }
0x79: {  	v0 =	vld [tilespmem:s31+$0x70]  }
0x7a: {  	v1 =	vld [tilespmem:s31+$0xFFFFFF90]  }
0x7b: {  	v2 =	vld [tilespmem:s31+$0xFFFFFFA0]  }
0x7c: {  	v3 =	vld [tilespmem:s31+$0xFFFFFFB0]  }
0x7d: {  	v4 =	vld [tilespmem:s31+$0xFFFFFFC0]  }
0x7e: {  	v5 =	vld [tilespmem:s31+$0xFFFFFFD0]  }
0x7f: {  	v6 =	vld [tilespmem:s31+$0xFFFFFFE0]  }
0x80: {  	v7 =	vld [tilespmem:s31+$0xFFFFFFF0]  }
0x81: {  	v8 =	vld [tilespmem:s31+$0x0]  }
0x82: {  	v9 =	vld [tilespmem:s31+$0x10]  }
0x83: {  	v10 =	vld [tilespmem:s31+$0x20]  }
0x84: {  	v11 =	vld [tilespmem:s31+$0x30]  }
0x85: {  	v12 =	vld [tilespmem:s31+$0x40]  }
0x86: {  	v13 =	vld [tilespmem:s31+$0x50]  }
0x87: {  	v14 =	vld [tilespmem:s31+$0x60]  }
0x88: {  	v15 =	vld [tilespmem:s31+$0xFFFFFF80]  }
0x89: {  	v0 =	vld.idx.msk [tilespmem:v0+s14+$0x0], $0xffff  }
0x8a: {  	v1 =	vld.idx.msk [tilespmem:v1+s14+$0x0], $0xffff  }
0x8b: {  	v2 =	vld.idx.msk [tilespmem:v2+s14+$0x0], $0xffff  }
0x8c: {  	v3 =	vld.idx.msk [tilespmem:v3+s14+$0x0], $0xffff  }
0x8d: {  	v4 =	vld.idx.msk [tilespmem:v4+s14+$0x0], $0xffff  }
0x8e: {  	s25 =	simm.s32 $0x1E980;
	v5 =	vld.idx.msk [tilespmem:v5+s14+$0x0], $0xffff  }
0x8f: {  	v6 =	vld.idx.msk [tilespmem:v6+s14+$0x0], $0xffff;
	[tilespmem:s25+$0x70] =	vst v0  }
0x90: {  	v7 =	vld.idx.msk [tilespmem:v7+s14+$0x0], $0xffff;
	[tilespmem:s25+$0xFFFFFF90] =	vst v1  }
0x91: {  	v15 =	vld.idx.msk [tilespmem:v15+s14+$0x0], $0xffff;
	[tilespmem:s25+$0xFFFFFFA0] =	vst v2  }
0x92: {  	v8 =	vld.idx.msk [tilespmem:v8+s14+$0x0], $0xffff;
	[tilespmem:s25+$0xFFFFFFB0] =	vst v3  }
0x93: {  	[tilespmem:s25+$0xFFFFFFC0] =	vst v4;
	v0 =	vld.idx.msk [tilespmem:v9+s14+$0x0], $0xffff  }
0x94: {  	[tilespmem:s25+$0xFFFFFFD0] =	vst v5;
	v1 =	vld.idx.msk [tilespmem:v10+s14+$0x0], $0xffff  }
0x95: {  	[tilespmem:s25+$0xFFFFFFE0] =	vst v6;
	v2 =	vld.idx.msk [tilespmem:v11+s14+$0x0], $0xffff  }
0x96: {  	[tilespmem:s25+$0xFFFFFFF0] =	vst v7;
	v3 =	vld.idx.msk [tilespmem:v12+s14+$0x0], $0xffff  }
0x97: {  	[tilespmem:s25+$0xFFFFFF80] =	vst v15;
	v4 =	vld.idx.msk [tilespmem:v13+s14+$0x0], $0xffff  }
0x98: {  	s26 =	simm.s32 $0x0;
	s28 =	simm.s32 $0x1CA80;
	[tilespmem:s25+$0x0] =	vst v8;
	v5 =	vld.idx.msk [tilespmem:v14+s14+$0x0], $0xffff  }
.LBB2_5:
0x99: {  	v6 =	vld [tilespmem:s28+$0x70];
	s26 =	sadd.s32 $0x100, s26;
	[tilespmem:s25+$0x10] =	vst v0  }
0x9a: {  	v0 =	vld [tilespmem:s28+$0xFFFFFF90];
	p1 =	slt.u32 s26, $0xF00;
	[tilespmem:s25+$0x20] =	vst v1  }
0x9b: {  	v1 =	vld [tilespmem:s28+$0xFFFFFFA0];
	[tilespmem:s25+$0x30] =	vst v2  }
0x9c: {  	v2 =	vld [tilespmem:s28+$0xFFFFFFB0];
	[tilespmem:s25+$0x40] =	vst v3  }
0x9d: {  	v3 =	vld [tilespmem:s28+$0xFFFFFFC0];
	[tilespmem:s25+$0x50] =	vst v4  }
0x9e: {  	v4 =	vld [tilespmem:s28+$0xFFFFFFD0];
	[tilespmem:s25+$0x60] =	vst v5  }
0x9f: {  	v5 =	vld [tilespmem:s28+$0xFFFFFFE0]  }
0xa0: {  	v7 =	vld [tilespmem:s28+$0xFFFFFFF0]  }
0xa1: {  	v6 =	vld.idx.msk [tilespmem:v6+s14+$0x0], $0xffff  }
0xa2: {  	v8 =	vld [tilespmem:s28+$0x0]  }
0xa3: {  	v9 =	vld [tilespmem:s28+$0x10]  }
0xa4: {  	v10 =	vld [tilespmem:s28+$0x20]  }
0xa5: {  	v11 =	vld [tilespmem:s28+$0x30]  }
0xa6: {  	s25 =	sadd.s32 $0x100, s25;
	v12 =	vld [tilespmem:s28+$0x40]  }
0xa7: {  	v13 =	vld [tilespmem:s28+$0x50];
	[tilespmem:s25+$0x70] =	vst v6  }
0xa8: {  	v6 =	vld [tilespmem:s28+$0x60]  }
0xa9: {  	v14 =	vld [tilespmem:s28+$0xFFFFFF80]  }
0xaa: {  	v0 =	vld.idx.msk [tilespmem:v0+s14+$0x0], $0xffff  }
0xab: {  	v1 =	vld.idx.msk [tilespmem:v1+s14+$0x0], $0xffff  }
0xac: {  	v2 =	vld.idx.msk [tilespmem:v2+s14+$0x0], $0xffff  }
0xad: {  	v3 =	vld.idx.msk [tilespmem:v3+s14+$0x0], $0xffff  }
0xae: {  	v4 =	vld.idx.msk [tilespmem:v4+s14+$0x0], $0xffff  }
0xaf: {  	v5 =	vld.idx.msk [tilespmem:v5+s14+$0x0], $0xffff  }
0xb0: {  	[tilespmem:s25+$0xFFFFFF90] =	vst v0;
	v7 =	vld.idx.msk [tilespmem:v7+s14+$0x0], $0xffff  }
0xb1: {  	v14 =	vld.idx.msk [tilespmem:v14+s14+$0x0], $0xffff;
	[tilespmem:s25+$0xFFFFFFA0] =	vst v1  }
0xb2: {  	[tilespmem:s25+$0xFFFFFFB0] =	vst v2;
	v8 =	vld.idx.msk [tilespmem:v8+s14+$0x0], $0xffff  }
0xb3: {  	[tilespmem:s25+$0xFFFFFFC0] =	vst v3;
	v0 =	vld.idx.msk [tilespmem:v9+s14+$0x0], $0xffff  }
.Ltmp1:
0xb4: {  	[tilespmem:s25+$0xFFFFFFD0] =	vst v4;
	v1 =	vld.idx.msk [tilespmem:v10+s14+$0x0], $0xffff;
	(pc) =	sbr.rel @p1 .LBB2_5-.Ltmp1, $4  }
0xb5: {  	[tilespmem:s25+$0xFFFFFFE0] =	vst v5;
	v2 =	vld.idx.msk [tilespmem:v11+s14+$0x0], $0xffff  }
0xb6: {  	[tilespmem:s25+$0xFFFFFFF0] =	vst v7;
	v3 =	vld.idx.msk [tilespmem:v12+s14+$0x0], $0xffff  }
0xb7: {  	[tilespmem:s25+$0xFFFFFF80] =	vst v14;
	v4 =	vld.idx.msk [tilespmem:v13+s14+$0x0], $0xffff  }
0xb8: {  	s28 =	sadd.s32 $0x100, s28;
	[tilespmem:s25+$0x0] =	vst v8;
	v5 =	vld.idx.msk [tilespmem:v6+s14+$0x0], $0xffff  }
0xb9: {  	[tilespmem:s25+$0x10] =	vst v0;
	s23 =	sadd.s32 $0x1, s23  }
0xba: {  	[tilespmem:s25+$0x20] =	vst v1;
	p1 =	sne.s32 s23, $0x19  }
.Ltmp2:
0xbb: {  	s24 =	sshll.u32 s24, $0x12;
	[tilespmem:s25+$0x30] =	vst v2;
	(pc) =	sbr.rel @p1 .LBB2_2-.Ltmp2, $4  }
0xbc: {  	s24 =	sor.u32 s8, s24;
	[tilespmem:s25+$0x40] =	vst v3  }
0xbd: {  	s24 =	sshrl.u32 s24, $0x3;
	[tilespmem:s25+$0x50] =	vst v4  }
0xbe: {  	s24 =	sadd.s32 s1, s24;
	[tilespmem:s25+$0x60] =	vst v5  }
0xbf: {  	[hbm4b:s24+s12] =	stream.strided.scatter [tilespmem:s20], [sflag:$0x4], $0x1000, s13, s12, $0x38;
	[tilespmem:$0x1F900] =	vst v63  }
0xc0: {  	[tilespmem:s14], [sflag:$0x5] =	stream.strided.gather [hbm4b:s6+s12], $0x18700, s13, s12, $0x38;
	[tilespmem:$0x1F900] =	vst v63  }
0xc1: {  	_ =	swait.ge [sflag:s15], $0x18700  }
0xc2: {  	[sflag:s15] =	ssyncset.done $0x0  }
0xc3: {  	s23 =	simm.s32 $0x0;
	[sflag:s15] =	ssyncadd.s32 $0xFFFE7900  }
.LBB2_8:
0xc4: {  	s24 =	sshllo.u32 s23, $0x1  }
0xc5: {  	_ =	swait.ge [sflag:s16], $0x1000;
	s25 =	sshll.u32 s24, $0xC  }
0xc6: {  	[sflag:s16] =	ssyncset.done $0x0;
	s25 =	sand.u32 $0x3FFFF000, s25  }
0xc7: {  	[sflag:s16] =	ssyncadd.s32 $0xFFFFF000;
	s25 =	sadd.s32 s25, s2  }
0xc8: {  	[tilespmem:s17], [sflag:$0x2] =	stream.linear.gather [spmem:s25], $0x1000, $0x38;
	[tilespmem:$0x1F900] =	vst v63  }
0xc9: {  	_ =	swait.ge [sflag:s21], $0x1000  }
0xca: {  	[sflag:s21] =	ssyncset.done $0x0  }
0xcb: {  	s31 =	simm.s32 $0x1B980;
	[sflag:s21] =	ssyncadd.s32 $0xFFFFF000  }
0xcc: {  	v0 =	vld [tilespmem:s31+$0x70]  }
0xcd: {  	v1 =	vld [tilespmem:s31+$0xFFFFFF90]  }
0xce: {  	v2 =	vld [tilespmem:s31+$0xFFFFFFA0]  }
0xcf: {  	v3 =	vld [tilespmem:s31+$0xFFFFFFB0]  }
0xd0: {  	v4 =	vld [tilespmem:s31+$0xFFFFFFC0]  }
0xd1: {  	v5 =	vld [tilespmem:s31+$0xFFFFFFD0]  }
0xd2: {  	v6 =	vld [tilespmem:s31+$0xFFFFFFE0]  }
0xd3: {  	v7 =	vld [tilespmem:s31+$0xFFFFFFF0]  }
0xd4: {  	v8 =	vld [tilespmem:s31+$0x0]  }
0xd5: {  	v9 =	vld [tilespmem:s31+$0x10]  }
0xd6: {  	v10 =	vld [tilespmem:s31+$0x20]  }
0xd7: {  	v11 =	vld [tilespmem:s31+$0x30]  }
0xd8: {  	v12 =	vld [tilespmem:s31+$0x40]  }
0xd9: {  	v13 =	vld [tilespmem:s31+$0x50]  }
0xda: {  	v14 =	vld [tilespmem:s31+$0x60]  }
0xdb: {  	v15 =	vld [tilespmem:s31+$0xFFFFFF80]  }
0xdc: {  	v0 =	vld.idx.msk [tilespmem:v0+s14+$0x0], $0xffff  }
0xdd: {  	v1 =	vld.idx.msk [tilespmem:v1+s14+$0x0], $0xffff  }
0xde: {  	v2 =	vld.idx.msk [tilespmem:v2+s14+$0x0], $0xffff  }
0xdf: {  	v3 =	vld.idx.msk [tilespmem:v3+s14+$0x0], $0xffff  }
0xe0: {  	v4 =	vld.idx.msk [tilespmem:v4+s14+$0x0], $0xffff  }
0xe1: {  	s25 =	simm.s32 $0x1D980;
	v5 =	vld.idx.msk [tilespmem:v5+s14+$0x0], $0xffff  }
0xe2: {  	v6 =	vld.idx.msk [tilespmem:v6+s14+$0x0], $0xffff;
	[tilespmem:s25+$0x70] =	vst v0  }
0xe3: {  	v7 =	vld.idx.msk [tilespmem:v7+s14+$0x0], $0xffff;
	[tilespmem:s25+$0xFFFFFF90] =	vst v1  }
0xe4: {  	v15 =	vld.idx.msk [tilespmem:v15+s14+$0x0], $0xffff;
	[tilespmem:s25+$0xFFFFFFA0] =	vst v2  }
0xe5: {  	v8 =	vld.idx.msk [tilespmem:v8+s14+$0x0], $0xffff;
	[tilespmem:s25+$0xFFFFFFB0] =	vst v3  }
0xe6: {  	[tilespmem:s25+$0xFFFFFFC0] =	vst v4;
	v0 =	vld.idx.msk [tilespmem:v9+s14+$0x0], $0xffff  }
0xe7: {  	[tilespmem:s25+$0xFFFFFFD0] =	vst v5;
	v1 =	vld.idx.msk [tilespmem:v10+s14+$0x0], $0xffff  }
0xe8: {  	[tilespmem:s25+$0xFFFFFFE0] =	vst v6;
	v2 =	vld.idx.msk [tilespmem:v11+s14+$0x0], $0xffff  }
0xe9: {  	[tilespmem:s25+$0xFFFFFFF0] =	vst v7;
	v3 =	vld.idx.msk [tilespmem:v12+s14+$0x0], $0xffff  }
0xea: {  	[tilespmem:s25+$0xFFFFFF80] =	vst v15;
	v4 =	vld.idx.msk [tilespmem:v13+s14+$0x0], $0xffff  }
0xeb: {  	s26 =	sshll.u32 s23, $0x1;
	s28 =	simm.s32 $0x0;
	s29 =	simm.s32 $0x1BA80;
	[tilespmem:s25+$0x0] =	vst v8;
	v5 =	vld.idx.msk [tilespmem:v14+s14+$0x0], $0xffff  }
.LBB2_9:
0xec: {  	v6 =	vld [tilespmem:s29+$0x70];
	s28 =	sadd.s32 $0x100, s28;
	[tilespmem:s25+$0x10] =	vst v0  }
0xed: {  	v0 =	vld [tilespmem:s29+$0xFFFFFF90];
	p1 =	slt.u32 s28, $0xF00;
	[tilespmem:s25+$0x20] =	vst v1  }
0xee: {  	v1 =	vld [tilespmem:s29+$0xFFFFFFA0];
	[tilespmem:s25+$0x30] =	vst v2  }
0xef: {  	v2 =	vld [tilespmem:s29+$0xFFFFFFB0];
	[tilespmem:s25+$0x40] =	vst v3  }
0xf0: {  	v3 =	vld [tilespmem:s29+$0xFFFFFFC0];
	[tilespmem:s25+$0x50] =	vst v4  }
0xf1: {  	v4 =	vld [tilespmem:s29+$0xFFFFFFD0];
	[tilespmem:s25+$0x60] =	vst v5  }
0xf2: {  	v5 =	vld [tilespmem:s29+$0xFFFFFFE0]  }
0xf3: {  	v7 =	vld [tilespmem:s29+$0xFFFFFFF0]  }
0xf4: {  	v6 =	vld.idx.msk [tilespmem:v6+s14+$0x0], $0xffff  }
0xf5: {  	v8 =	vld [tilespmem:s29+$0x0]  }
0xf6: {  	v9 =	vld [tilespmem:s29+$0x10]  }
0xf7: {  	v10 =	vld [tilespmem:s29+$0x20]  }
0xf8: {  	v11 =	vld [tilespmem:s29+$0x30]  }
0xf9: {  	s25 =	sadd.s32 $0x100, s25;
	v12 =	vld [tilespmem:s29+$0x40]  }
0xfa: {  	v13 =	vld [tilespmem:s29+$0x50];
	[tilespmem:s25+$0x70] =	vst v6  }
0xfb: {  	v6 =	vld [tilespmem:s29+$0x60]  }
0xfc: {  	v14 =	vld [tilespmem:s29+$0xFFFFFF80]  }
0xfd: {  	v0 =	vld.idx.msk [tilespmem:v0+s14+$0x0], $0xffff  }
0xfe: {  	v1 =	vld.idx.msk [tilespmem:v1+s14+$0x0], $0xffff  }
0xff: {  	v2 =	vld.idx.msk [tilespmem:v2+s14+$0x0], $0xffff  }
0x100: {  	v3 =	vld.idx.msk [tilespmem:v3+s14+$0x0], $0xffff  }
0x101: {  	v4 =	vld.idx.msk [tilespmem:v4+s14+$0x0], $0xffff  }
0x102: {  	v5 =	vld.idx.msk [tilespmem:v5+s14+$0x0], $0xffff  }
0x103: {  	[tilespmem:s25+$0xFFFFFF90] =	vst v0;
	v7 =	vld.idx.msk [tilespmem:v7+s14+$0x0], $0xffff  }
0x104: {  	v14 =	vld.idx.msk [tilespmem:v14+s14+$0x0], $0xffff;
	[tilespmem:s25+$0xFFFFFFA0] =	vst v1  }
0x105: {  	[tilespmem:s25+$0xFFFFFFB0] =	vst v2;
	v8 =	vld.idx.msk [tilespmem:v8+s14+$0x0], $0xffff  }
0x106: {  	[tilespmem:s25+$0xFFFFFFC0] =	vst v3;
	v0 =	vld.idx.msk [tilespmem:v9+s14+$0x0], $0xffff  }
.Ltmp3:
0x107: {  	[tilespmem:s25+$0xFFFFFFD0] =	vst v4;
	v1 =	vld.idx.msk [tilespmem:v10+s14+$0x0], $0xffff;
	(pc) =	sbr.rel @p1 .LBB2_9-.Ltmp3, $4  }
0x108: {  	[tilespmem:s25+$0xFFFFFFE0] =	vst v5;
	v2 =	vld.idx.msk [tilespmem:v11+s14+$0x0], $0xffff  }
0x109: {  	[tilespmem:s25+$0xFFFFFFF0] =	vst v7;
	v3 =	vld.idx.msk [tilespmem:v12+s14+$0x0], $0xffff  }
0x10a: {  	[tilespmem:s25+$0xFFFFFF80] =	vst v14;
	v4 =	vld.idx.msk [tilespmem:v13+s14+$0x0], $0xffff  }
0x10b: {  	s29 =	sadd.s32 $0x100, s29;
	[tilespmem:s25+$0x0] =	vst v8;
	v5 =	vld.idx.msk [tilespmem:v6+s14+$0x0], $0xffff  }
0x10c: {  	[tilespmem:s25+$0x10] =	vst v0  }
0x10d: {  	[tilespmem:s25+$0x20] =	vst v1  }
0x10e: {  	s28 =	sshll.u32 s23, $0x13;
	[tilespmem:s25+$0x30] =	vst v2  }
0x10f: {  	s28 =	sor.u32 s9, s28;
	[tilespmem:s25+$0x40] =	vst v3  }
0x110: {  	s30 =	sadd.s32 $0x2, s26;
	s28 =	sshrl.u32 s28, $0x3;
	[tilespmem:s25+$0x50] =	vst v4  }
0x111: {  	p1 =	seq.s32 s30, $0x32;
	s29 =	sadd.s32 s1, s28;
	[tilespmem:s25+$0x60] =	vst v5;
	s25 =	sshll.u32 s30, $0xE  }
0x112: {  	[hbm4b:s29+s12] =	stream.strided.scatter [tilespmem:s18], [sflag:$0x3], $0x1000, s13, s12, $0x38;
	[tilespmem:$0x1F900] =	vst v63  }
0x113: {  	s25 =	simm.s32 @p1 $0x0;
	_ =	swait.ge [sflag:s19], $0x1000  }
0x114: {  	s25 =	sshrl.u32 s25, $0x2;
	[sflag:s19] =	ssyncset.done $0x0  }
0x115: {  	s25 =	sadd.s32 s25, s2;
	[sflag:s19] =	ssyncadd.s32 $0xFFFFF000  }
0x116: {  	[tilespmem:s11], [sflag:$0x1] =	stream.linear.gather [spmem:s25], $0x1000, $0x38;
	[tilespmem:$0x1F900] =	vst v63  }
0x117: {  	_ =	swait.ge [sflag:s22], $0x1000  }
0x118: {  	[sflag:s22] =	ssyncset.done $0x0  }
0x119: {  	s31 =	simm.s32 $0x1C980;
	[sflag:s22] =	ssyncadd.s32 $0xFFFFF000  }
0x11a: {  	v0 =	vld [tilespmem:s31+$0x70]  }
0x11b: {  	v1 =	vld [tilespmem:s31+$0xFFFFFF90]  }
0x11c: {  	v2 =	vld [tilespmem:s31+$0xFFFFFFA0]  }
0x11d: {  	v3 =	vld [tilespmem:s31+$0xFFFFFFB0]  }
0x11e: {  	v4 =	vld [tilespmem:s31+$0xFFFFFFC0]  }
0x11f: {  	v5 =	vld [tilespmem:s31+$0xFFFFFFD0]  }
0x120: {  	v6 =	vld [tilespmem:s31+$0xFFFFFFE0]  }
0x121: {  	v7 =	vld [tilespmem:s31+$0xFFFFFFF0]  }
0x122: {  	v8 =	vld [tilespmem:s31+$0x0]  }
0x123: {  	v9 =	vld [tilespmem:s31+$0x10]  }
0x124: {  	v10 =	vld [tilespmem:s31+$0x20]  }
0x125: {  	v11 =	vld [tilespmem:s31+$0x30]  }
0x126: {  	v12 =	vld [tilespmem:s31+$0x40]  }
0x127: {  	v13 =	vld [tilespmem:s31+$0x50]  }
0x128: {  	v14 =	vld [tilespmem:s31+$0x60]  }
0x129: {  	v15 =	vld [tilespmem:s31+$0xFFFFFF80]  }
0x12a: {  	v0 =	vld.idx.msk [tilespmem:v0+s14+$0x0], $0xffff  }
0x12b: {  	v1 =	vld.idx.msk [tilespmem:v1+s14+$0x0], $0xffff  }
0x12c: {  	v2 =	vld.idx.msk [tilespmem:v2+s14+$0x0], $0xffff  }
0x12d: {  	v3 =	vld.idx.msk [tilespmem:v3+s14+$0x0], $0xffff  }
0x12e: {  	v4 =	vld.idx.msk [tilespmem:v4+s14+$0x0], $0xffff  }
0x12f: {  	s25 =	simm.s32 $0x1E980;
	v5 =	vld.idx.msk [tilespmem:v5+s14+$0x0], $0xffff  }
0x130: {  	v6 =	vld.idx.msk [tilespmem:v6+s14+$0x0], $0xffff;
	[tilespmem:s25+$0x70] =	vst v0  }
0x131: {  	v7 =	vld.idx.msk [tilespmem:v7+s14+$0x0], $0xffff;
	[tilespmem:s25+$0xFFFFFF90] =	vst v1  }
0x132: {  	v15 =	vld.idx.msk [tilespmem:v15+s14+$0x0], $0xffff;
	[tilespmem:s25+$0xFFFFFFA0] =	vst v2  }
0x133: {  	v8 =	vld.idx.msk [tilespmem:v8+s14+$0x0], $0xffff;
	[tilespmem:s25+$0xFFFFFFB0] =	vst v3  }
0x134: {  	[tilespmem:s25+$0xFFFFFFC0] =	vst v4;
	v0 =	vld.idx.msk [tilespmem:v9+s14+$0x0], $0xffff  }
0x135: {  	[tilespmem:s25+$0xFFFFFFD0] =	vst v5;
	v1 =	vld.idx.msk [tilespmem:v10+s14+$0x0], $0xffff  }
0x136: {  	[tilespmem:s25+$0xFFFFFFE0] =	vst v6;
	v2 =	vld.idx.msk [tilespmem:v11+s14+$0x0], $0xffff  }
0x137: {  	[tilespmem:s25+$0xFFFFFFF0] =	vst v7;
	v3 =	vld.idx.msk [tilespmem:v12+s14+$0x0], $0xffff  }
0x138: {  	[tilespmem:s25+$0xFFFFFF80] =	vst v15;
	v4 =	vld.idx.msk [tilespmem:v13+s14+$0x0], $0xffff  }
0x139: {  	s26 =	simm.s32 $0x0;
	s28 =	simm.s32 $0x1CA80;
	[tilespmem:s25+$0x0] =	vst v8;
	v5 =	vld.idx.msk [tilespmem:v14+s14+$0x0], $0xffff  }
.LBB2_11:
0x13a: {  	v6 =	vld [tilespmem:s28+$0x70];
	s26 =	sadd.s32 $0x100, s26;
	[tilespmem:s25+$0x10] =	vst v0  }
0x13b: {  	v0 =	vld [tilespmem:s28+$0xFFFFFF90];
	p1 =	slt.u32 s26, $0xF00;
	[tilespmem:s25+$0x20] =	vst v1  }
0x13c: {  	v1 =	vld [tilespmem:s28+$0xFFFFFFA0];
	[tilespmem:s25+$0x30] =	vst v2  }
0x13d: {  	v2 =	vld [tilespmem:s28+$0xFFFFFFB0];
	[tilespmem:s25+$0x40] =	vst v3  }
0x13e: {  	v3 =	vld [tilespmem:s28+$0xFFFFFFC0];
	[tilespmem:s25+$0x50] =	vst v4  }
0x13f: {  	v4 =	vld [tilespmem:s28+$0xFFFFFFD0];
	[tilespmem:s25+$0x60] =	vst v5  }
0x140: {  	v5 =	vld [tilespmem:s28+$0xFFFFFFE0]  }
0x141: {  	v7 =	vld [tilespmem:s28+$0xFFFFFFF0]  }
0x142: {  	v6 =	vld.idx.msk [tilespmem:v6+s14+$0x0], $0xffff  }
0x143: {  	v8 =	vld [tilespmem:s28+$0x0]  }
0x144: {  	v9 =	vld [tilespmem:s28+$0x10]  }
0x145: {  	v10 =	vld [tilespmem:s28+$0x20]  }
0x146: {  	v11 =	vld [tilespmem:s28+$0x30]  }
0x147: {  	s25 =	sadd.s32 $0x100, s25;
	v12 =	vld [tilespmem:s28+$0x40]  }
0x148: {  	v13 =	vld [tilespmem:s28+$0x50];
	[tilespmem:s25+$0x70] =	vst v6  }
0x149: {  	v6 =	vld [tilespmem:s28+$0x60]  }
0x14a: {  	v14 =	vld [tilespmem:s28+$0xFFFFFF80]  }
0x14b: {  	v0 =	vld.idx.msk [tilespmem:v0+s14+$0x0], $0xffff  }
0x14c: {  	v1 =	vld.idx.msk [tilespmem:v1+s14+$0x0], $0xffff  }
0x14d: {  	v2 =	vld.idx.msk [tilespmem:v2+s14+$0x0], $0xffff  }
0x14e: {  	v3 =	vld.idx.msk [tilespmem:v3+s14+$0x0], $0xffff  }
0x14f: {  	v4 =	vld.idx.msk [tilespmem:v4+s14+$0x0], $0xffff  }
0x150: {  	v5 =	vld.idx.msk [tilespmem:v5+s14+$0x0], $0xffff  }
0x151: {  	[tilespmem:s25+$0xFFFFFF90] =	vst v0;
	v7 =	vld.idx.msk [tilespmem:v7+s14+$0x0], $0xffff  }
0x152: {  	v14 =	vld.idx.msk [tilespmem:v14+s14+$0x0], $0xffff;
	[tilespmem:s25+$0xFFFFFFA0] =	vst v1  }
0x153: {  	[tilespmem:s25+$0xFFFFFFB0] =	vst v2;
	v8 =	vld.idx.msk [tilespmem:v8+s14+$0x0], $0xffff  }
0x154: {  	[tilespmem:s25+$0xFFFFFFC0] =	vst v3;
	v0 =	vld.idx.msk [tilespmem:v9+s14+$0x0], $0xffff  }
.Ltmp4:
0x155: {  	[tilespmem:s25+$0xFFFFFFD0] =	vst v4;
	v1 =	vld.idx.msk [tilespmem:v10+s14+$0x0], $0xffff;
	(pc) =	sbr.rel @p1 .LBB2_11-.Ltmp4, $4  }
0x156: {  	[tilespmem:s25+$0xFFFFFFE0] =	vst v5;
	v2 =	vld.idx.msk [tilespmem:v11+s14+$0x0], $0xffff  }
0x157: {  	[tilespmem:s25+$0xFFFFFFF0] =	vst v7;
	v3 =	vld.idx.msk [tilespmem:v12+s14+$0x0], $0xffff  }
0x158: {  	[tilespmem:s25+$0xFFFFFF80] =	vst v14;
	v4 =	vld.idx.msk [tilespmem:v13+s14+$0x0], $0xffff  }
0x159: {  	s28 =	sadd.s32 $0x100, s28;
	[tilespmem:s25+$0x0] =	vst v8;
	v5 =	vld.idx.msk [tilespmem:v6+s14+$0x0], $0xffff  }
0x15a: {  	[tilespmem:s25+$0x10] =	vst v0;
	s23 =	sadd.s32 $0x1, s23  }
0x15b: {  	[tilespmem:s25+$0x20] =	vst v1;
	p1 =	sne.s32 s23, $0x19  }
.Ltmp5:
0x15c: {  	s24 =	sshll.u32 s24, $0x12;
	[tilespmem:s25+$0x30] =	vst v2;
	(pc) =	sbr.rel @p1 .LBB2_8-.Ltmp5, $4  }
0x15d: {  	s24 =	sor.u32 s9, s24;
	[tilespmem:s25+$0x40] =	vst v3  }
0x15e: {  	s24 =	sshrl.u32 s24, $0x3;
	[tilespmem:s25+$0x50] =	vst v4  }
0x15f: {  	s24 =	sadd.s32 s1, s24;
	[tilespmem:s25+$0x60] =	vst v5  }
0x160: {  	[hbm4b:s24+s12] =	stream.strided.scatter [tilespmem:s20], [sflag:$0x4], $0x1000, s13, s12, $0x38;
	[tilespmem:$0x1F900] =	vst v63  }
0x161: {  	_ =	swait.ge [sflag:s16], $0x1000  }
0x162: {  	[sflag:s16] =	ssyncset.done $0x0  }
0x163: {  	s3 =	sadd.s32 $0x1, s3;
	[sflag:s16] =	ssyncadd.s32 $0xFFFFF000  }
0x164: {  	p1 =	sne.s32 s3, s7;
	_ =	swait.ge [sflag:s21], $0x1000  }
.Ltmp6:
0x165: {  	[sflag:s21] =	ssyncset.done $0x0;
	(pc) =	sbr.rel @p1 .LBB2_1-.Ltmp6, $4  }
0x166: {  	[sflag:s21] =	ssyncadd.s32 $0xFFFFF000  }
0x167: {  	_ =	swait.ge [sflag:s22], $0x1000  }
0x168: {  	[sflag:s22] =	ssyncset.done $0x0  }
0x169: {  	[sflag:s22] =	ssyncadd.s32 $0xFFFFF000  }
0x16a: {  	_ =	sfence.sel $0x180000  }
0x16b: {  	[bflag:$0x0] =	sbarrier.arrive $0xFFFF  }
0x16c: {  	_ =	strace $0x90000047  }
0x16d: {  	s0 =	sadd.s32 @!p0 $0x100000, s0;
	[bflag:$0x2] =	sbarrier.arrive $0xFFFF  }
0x16e: {  	[sflag:s0] =	ssyncadd.tile.s32 @!p0 $0x1;
	_ =	shalt  }
.Lfunc_end2:
_tile_overlayer_lowered:
.L_overlay_start_2:
0x16f: {  	(tag) =	ssettag $0x2  }
0x170: {  	s0 =	rddreg [dreg:$0x0];
	s2 =	stileid.u32  }
0x171: {  	s1 =	rddreg [dreg:$0x1];
	p0 =	sne.s32 s2, $0x0  }
0x172: {  	s3 =	rddreg [dreg:$0x2];
	[bflag:$0x3] =	sbarrier.arrive $0xFFFF;
	s2 =	simm.s32 @!p0 $0x1C05  }
0x173: {  	[timem:s3], [sflag:s2] =	dma.local @!p0 [hbm:s0], s1  }
0x174: {  	s0 =	simm.s32 @!p0 $0x5  }
0x175: {  	_ =	swait.ge @!p0 [sflag:s0], s1  }
0x176: {  	s1 =	ssub.s32 @!p0 $0x0, s1;
	[sflag:s0] =	ssyncset.done @!p0 $0x0  }
0x177: {  	[sflag:s0] =	ssyncadd.s32 @!p0 s1  }
0x178: {  	[bflag:$0x3] =	sbarrier.arrive $0xFFFF  }
0x179: {  	_ =	shalt  }

</sc_bundles>
